<compile_context>
chip_gen: v7x
topology: tpu7x:2x2x1
jax: 0.10.2.dev20260603
libtpu: 0.0.44.dev20260713+nightly
codegen_flags: <defaults>
</compile_context>

<pallas_src>
import functools

import jax
import jax.numpy as jnp
from jax import lax
from jax.experimental import pallas as pl
from jax.experimental.pallas import tpu as pltpu
from jax.experimental.pallas import tpu_sc as plsc

_B, _S, _NX, _NE, _K = 4, 2048, 4096, 64, 8
_S_BLK = 512
_N_SBLK = _S // _S_BLK
_L = 16
_NCH = _NE // _L


def _router_scores_kernel(x_ref, w_ref, b_ref, scores_ref, acc_ref):
    bi = pl.program_id(0)
    j = pl.program_id(1)

    @pl.when(jnp.logical_and(bi == 0, j == 0))
    def _init():
        acc_ref[...] = jnp.zeros_like(acc_ref)

    ones = jnp.ones((1, _S_BLK), jnp.float32)
    partial = jnp.dot(ones, x_ref[0], precision=lax.Precision.DEFAULT,
                      preferred_element_type=jnp.float32)
    acc_ref[pl.ds(bi, 1), :] += partial

    @pl.when(jnp.logical_and(bi == _B - 1, j == _N_SBLK - 1))
    def _finalize():
        xs = acc_ref[...]
        xh = xs.astype(jnp.bfloat16)
        xl = (xs - xh.astype(jnp.float32)).astype(jnp.bfloat16)
        stacked = jnp.concatenate([xh, xl], axis=0)
        r = jnp.dot(stacked, w_ref[...],
                    preferred_element_type=jnp.float32)
        scores_ref[...] = (r[:_B] + r[_B:]) * (1.0 / _S) + b_ref[...]


def _tc_scores(x, W, b):
    b2 = b.reshape(1, _NE)
    wb16 = W.astype(jnp.bfloat16)
    return pl.pallas_call(
        _router_scores_kernel,
        grid=(_B, _N_SBLK),
        in_specs=[
            pl.BlockSpec((1, _S_BLK, _NX), lambda bi, j: (bi, j, 0)),
            pl.BlockSpec((_NX, _NE), lambda bi, j: (0, 0)),
            pl.BlockSpec((1, _NE), lambda bi, j: (0, 0)),
        ],
        out_specs=pl.BlockSpec((_B, _NE), lambda bi, j: (0, 0)),
        out_shape=jax.ShapeDtypeStruct((_B, _NE), jnp.float32),
        scratch_shapes=[pltpu.VMEM((_B, _NX), jnp.float32)],
        compiler_params=pltpu.CompilerParams(
            dimension_semantics=("arbitrary", "arbitrary"),
        ),
    )(x, wb16, b2)


def _sc_topk_body(scores_hbm, vals_hbm, idx_hbm, row_v, vals_v, idx_v):
    wid = lax.axis_index("s") * 2 + lax.axis_index("c")

    def _bmax(v):
        return plsc.cummax(lax.rev(plsc.cummax(v), (0,)))

    @pl.when(wid < _B)
    def _work():
        pltpu.sync_copy(scores_hbm.at[wid], row_v)
        iota = jnp.arange(_L, dtype=jnp.int32)
        ch = [row_v[pl.ds(c * _L, _L)] for c in range(_NCH)]
        q = ch[0]
        for c in range(1, _NCH):
            q = jnp.maximum(q, ch[c])
        m = _bmax(q)
        es = [jnp.exp(x - m) for x in ch]
        t = es[0]
        for c in range(1, _NCH):
            t = t + es[c]
        tot = plsc.cummax(lax.rev(plsc.cumsum(t), (0,)))
        ps = [e / tot for e in es]
        vals_acc = jnp.zeros((_L,), jnp.float32)
        idx_acc = jnp.zeros((_L,), jnp.int32)
        for k in range(_K):
            q = ps[0]
            for c in range(1, _NCH):
                q = jnp.maximum(q, ps[c])
            mk = _bmax(q)
            cand = jnp.where(ps[0] == mk, iota, _NE)
            for c in range(1, _NCH):
                cand = jnp.minimum(
                    cand, jnp.where(ps[c] == mk, iota + _L * c, _NE))
            ik = -_bmax(-cand)
            vals_acc = jnp.where(iota == k, mk, vals_acc)
            idx_acc = jnp.where(iota == k, ik, idx_acc)
            ps = [jnp.where(iota + _L * c == ik, -jnp.inf, ps[c])
                  for c in range(_NCH)]
        vals_v[...] = vals_acc
        idx_v[...] = idx_acc
        pltpu.sync_copy(vals_v, vals_hbm.at[wid])
        pltpu.sync_copy(idx_v, idx_hbm.at[wid])


def _sc_topk(scores):
    mesh = plsc.VectorSubcoreMesh(core_axis_name="c", subcore_axis_name="s")
    fn = functools.partial(
        pl.kernel, mesh=mesh,
        out_type=[jax.ShapeDtypeStruct((_B, _L), jnp.float32),
                  jax.ShapeDtypeStruct((_B, _L), jnp.int32)],
        scratch_types=[pltpu.VMEM((_NE,), jnp.float32),
                       pltpu.VMEM((_L,), jnp.float32),
                       pltpu.VMEM((_L,), jnp.int32)],
        compiler_params=pltpu.CompilerParams(needs_layout_passes=False),
    )(_sc_topk_body)
    return fn(scores)


@jax.jit
def kernel(x, W, b):
    scores = _tc_scores(x, W, b)
    vals16, idx16 = _sc_topk(scores)
    return vals16[:, :_K], idx16[:, :_K]

# --- scband reference (transcript-rebuilt; emitter-appended) ---
"""Pipeline reference for scband-top-kroute-48137993453610 (READ-ONLY COPY).

The authoritative reference and input builder live on the scoring server;
editing this copy changes nothing except your own understanding.
"""

import jax, jax.numpy as jnp
import numpy as np

B, S, NX, NE, K = 4, 2048, 4096, 64, 8

def setup_inputs(seed: int = 0) -> dict:
    key = jax.random.key(seed)
    k1, k2 = jax.random.split(key, 2)
    x = jax.random.normal(k1, (B, S, NX), dtype=jnp.float32)
    W = jax.random.normal(k2, (NX, NE), dtype=jnp.float32) * (1.0 / np.sqrt(NX))
    b = jnp.zeros((NE,), dtype=jnp.float32)
    return {"x": x, "W": W, "b": b}

def reference(x, W, b):
    # scores = self.W(x): [B, S, NE]
    scores = jnp.einsum('bsd,de->bse', x, W) + b
    # mean over sequence dim (dim=1): [B, NE]
    scores = scores.mean(axis=1)
    # softmax over experts (dim=1 of [B, NE])
    scores = jax.nn.softmax(scores, axis=1)
    # top-k along last dim
    vals, idx = jax.lax.top_k(scores, K)
    return (vals, idx)

if __name__ == "__main__":
    import jax
    _d = setup_inputs()
    print(jax.jit(kernel)(*tuple(_d.values())))

</pallas_src>

<mosaic_0001>
#map = affine_map<(d0, d1) -> (0, 0)>
module attributes {stable_mosaic.version = 14 : i64} {
  func.func @_sc_topk_body(%arg0: i32, %arg1: i32, %arg2: memref<4x64xf32, #tpu.memory_space<hbm>>, %arg3: memref<4x16xf32, #tpu.memory_space<hbm>>, %arg4: memref<4x16xi32, #tpu.memory_space<hbm>>, %arg5: memref<64xf32, #tpu.memory_space<vmem>>, %arg6: memref<16xf32, #tpu.memory_space<vmem>>, %arg7: memref<16xi32, #tpu.memory_space<vmem>>) attributes {dimension_semantics = [#tpu.dimension_semantics<core_parallel>, #tpu.dimension_semantics<subcore_parallel>], iteration_bounds = array<i64: 2, 16>, scalar_prefetch = 0 : i64, scratch_operands = 3 : i64, tpu.core_type = #tpu.core_type<sc_vector_subcore>, window_params = [{transform_indices = #map}, {transform_indices = #map}, {transform_indices = #map}]} {
    %mul3A = arith.constant 2 : i32
    %mul3A_0 = arith.muli %arg1, %mul3A : i32
    %add3A = arith.addi %mul3A_0, %arg0 : i32
    %lt3A = arith.constant 4 : i32
    %lt3A_1 = arith.cmpi slt, %add3A, %lt3A : i32
    %convert_element_type3A = arith.extui %lt3A_1 : i1 to i32
    %cond3A = arith.constant 0 : i32
    %cond3A_2 = arith.cmpi ne, %convert_element_type3A, %cond3A : i32
    scf.if %cond3A_2 {
      "tpu.region"() ({
        %run_scoped3A = tpu.sem_alloc : memref<!tpu.dma_semaphore, #tpu.memory_space<semaphore_mem>>
        %dma_start3A = arith.constant 0 : i32
        %dma_start3A_868 = tpu.memref_slice %arg2[%add3A, %dma_start3A] : memref<4x64xf32, #tpu.memory_space<hbm>> -> memref<1x64xf32, #tpu.memory_space<hbm>>
        %dma_start3A_869 = tpu.memref_squeeze %dma_start3A_868 : memref<1x64xf32, #tpu.memory_space<hbm>> -> memref<64xf32, #tpu.memory_space<hbm>>
        %dma_start3A_870 = arith.constant 0 : i32
        %dma_start3A_871 = tpu.memref_slice %arg2[%add3A, %dma_start3A_870] : memref<4x64xf32, #tpu.memory_space<hbm>> -> memref<1x64xf32, #tpu.memory_space<hbm>>
        %dma_start3A_872 = tpu.memref_squeeze %dma_start3A_871 : memref<1x64xf32, #tpu.memory_space<hbm>> -> memref<64xf32, #tpu.memory_space<hbm>>
        tpu.enqueue_dma source(%dma_start3A_872 : memref<64xf32, #tpu.memory_space<hbm>>) target(%arg5 : memref<64xf32, #tpu.memory_space<vmem>>) target_semaphore(%run_scoped3A : memref<!tpu.dma_semaphore, #tpu.memory_space<semaphore_mem>>)
        %dma_wait3A = arith.constant 0 : i32
        %dma_wait3A_873 = tpu.memref_slice %arg2[%add3A, %dma_wait3A] : memref<4x64xf32, #tpu.memory_space<hbm>> -> memref<1x64xf32, #tpu.memory_space<hbm>>
        %dma_wait3A_874 = tpu.memref_squeeze %dma_wait3A_873 : memref<1x64xf32, #tpu.memory_space<hbm>> -> memref<64xf32, #tpu.memory_space<hbm>>
        %dma_wait3A_875 = arith.constant 0 : i32
        %dma_wait3A_876 = tpu.memref_slice %arg2[%add3A, %dma_wait3A_875] : memref<4x64xf32, #tpu.memory_space<hbm>> -> memref<1x64xf32, #tpu.memory_space<hbm>>
        %dma_wait3A_877 = tpu.memref_squeeze %dma_wait3A_876 : memref<1x64xf32, #tpu.memory_space<hbm>> -> memref<64xf32, #tpu.memory_space<hbm>>
        tpu.wait_dma2 semaphore(%run_scoped3A : memref<!tpu.dma_semaphore, #tpu.memory_space<semaphore_mem>>) src(%dma_wait3A_877 : memref<64xf32, #tpu.memory_space<hbm>>) dst(%arg5 : memref<64xf32, #tpu.memory_space<vmem>>)
        tpu.yield
      }) : () -> ()
      %iota3A = tpu.iota {dimensions = array<i32: 0>} : vector<16xi32>
      %get3A = arith.constant 0 : index
      %get3A_3 = tpu.vector_load %arg5[%get3A] {strides = array<i32>} : memref<64xf32, #tpu.memory_space<vmem>>, vector<16xf32>,
      %get3A_4 = arith.constant 16 : index
      %get3A_5 = tpu.vector_load %arg5[%get3A_4] {strides = array<i32>} : memref<64xf32, #tpu.memory_space<vmem>>, vector<16xf32>,
      %get3A_6 = arith.constant 32 : index
      %get3A_7 = tpu.vector_load %arg5[%get3A_6] {strides = array<i32>} : memref<64xf32, #tpu.memory_space<vmem>>, vector<16xf32>,
      %get3A_8 = arith.constant 48 : index
      %get3A_9 = tpu.vector_load %arg5[%get3A_8] {strides = array<i32>} : memref<64xf32, #tpu.memory_space<vmem>>, vector<16xf32>,
      %max3A = arith.maximumf %get3A_3, %get3A_5 : vector<16xf32>
      %max3A_10 = arith.maximumf %max3A, %get3A_7 : vector<16xf32>
      %max3A_11 = arith.maximumf %max3A_10, %get3A_9 : vector<16xf32>
      %broadcast_in_dim3A = arith.constant true
      %broadcast_in_dim3A_12 = vector.broadcast %broadcast_in_dim3A : i1 to vector<16xi1>
      %masked_cummax3A = tpu.scan <max>, %max3A_11 masked %broadcast_in_dim3A_12 : vector<16xf32>, vector<16xi1> -> vector<16xf32>
      %rev3A = arith.constant 15 : i32
      %rev3A_13 = vector.broadcast %rev3A : i32 to vector<16xi32>
      %rev3A_14 = tpu.iota {dimensions = array<i32: 0>} : vector<16xi32>
      %rev3A_15 = arith.subi %rev3A_13, %rev3A_14 : vector<16xi32>
      %rev3A_16 = tpu.dynamic_gather %masked_cummax3A[%rev3A_15] in [0] : vector<16xf32>, vector<16xi32> -> vector<16xf32>
      %broadcast_in_dim3A_17 = arith.constant true
      %broadcast_in_dim3A_18 = vector.broadcast %broadcast_in_dim3A_17 : i1 to vector<16xi1>
      %masked_cummax3A_19 = tpu.scan <max>, %rev3A_16 masked %broadcast_in_dim3A_18 : vector<16xf32>, vector<16xi1> -> vector<16xf32>
      %sub3A = arith.subf %get3A_3, %masked_cummax3A_19 : vector<16xf32>
      %exp3A = math.exp %sub3A : vector<16xf32>
      %sub3A_20 = arith.subf %get3A_5, %masked_cummax3A_19 : vector<16xf32>
      %exp3A_21 = math.exp %sub3A_20 : vector<16xf32>
      %sub3A_22 = arith.subf %get3A_7, %masked_cummax3A_19 : vector<16xf32>
      %exp3A_23 = math.exp %sub3A_22 : vector<16xf32>
      %sub3A_24 = arith.subf %get3A_9, %masked_cummax3A_19 : vector<16xf32>
      %exp3A_25 = math.exp %sub3A_24 : vector<16xf32>
      %add3A_26 = arith.addf %exp3A, %exp3A_21 : vector<16xf32>
      %add3A_27 = arith.addf %add3A_26, %exp3A_23 : vector<16xf32>
      %add3A_28 = arith.addf %add3A_27, %exp3A_25 : vector<16xf32>
      %broadcast_in_dim3A_29 = arith.constant true
      %broadcast_in_dim3A_30 = vector.broadcast %broadcast_in_dim3A_29 : i1 to vector<16xi1>
      %masked_cumsum3A = tpu.scan <sum>, %add3A_28 masked %broadcast_in_dim3A_30 : vector<16xf32>, vector<16xi1> -> vector<16xf32>
      %rev3A_31 = arith.constant 15 : i32
      %rev3A_32 = vector.broadcast %rev3A_31 : i32 to vector<16xi32>
      %rev3A_33 = tpu.iota {dimensions = array<i32: 0>} : vector<16xi32>
      %rev3A_34 = arith.subi %rev3A_32, %rev3A_33 : vector<16xi32>
      %rev3A_35 = tpu.dynamic_gather %masked_cumsum3A[%rev3A_34] in [0] : vector<16xf32>, vector<16xi32> -> vector<16xf32>
      %broadcast_in_dim3A_36 = arith.constant true
      %broadcast_in_dim3A_37 = vector.broadcast %broadcast_in_dim3A_36 : i1 to vector<16xi1>
      %masked_cummax3A_38 = tpu.scan <max>, %rev3A_35 masked %broadcast_in_dim3A_37 : vector<16xf32>, vector<16xi1> -> vector<16xf32>
      %div3A = arith.divf %exp3A, %masked_cummax3A_38 : vector<16xf32>
      %div3A_39 = arith.divf %exp3A_21, %masked_cummax3A_38 : vector<16xf32>
      %div3A_40 = arith.divf %exp3A_23, %masked_cummax3A_38 : vector<16xf32>
      %div3A_41 = arith.divf %exp3A_25, %masked_cummax3A_38 : vector<16xf32>
      %broadcast_in_dim3A_42 = arith.constant 0.000000e+00 : f32
      %broadcast_in_dim3A_43 = vector.broadcast %broadcast_in_dim3A_42 : f32 to vector<16xf32>
      %broadcast_in_dim3A_44 = arith.constant 0 : i32
      %broadcast_in_dim3A_45 = vector.broadcast %broadcast_in_dim3A_44 : i32 to vector<16xi32>
      %max3A_46 = arith.maximumf %div3A, %div3A_39 : vector<16xf32>
      %max3A_47 = arith.maximumf %max3A_46, %div3A_40 : vector<16xf32>
      %max3A_48 = arith.maximumf %max3A_47, %div3A_41 : vector<16xf32>
      %broadcast_in_dim3A_49 = arith.constant true
      %broadcast_in_dim3A_50 = vector.broadcast %broadcast_in_dim3A_49 : i1 to vector<16xi1>
      %masked_cummax3A_51 = tpu.scan <max>, %max3A_48 masked %broadcast_in_dim3A_50 : vector<16xf32>, vector<16xi1> -> vector<16xf32>
      %rev3A_52 = arith.constant 15 : i32
      %rev3A_53 = vector.broadcast %rev3A_52 : i32 to vector<16xi32>
      %rev3A_54 = tpu.iota {dimensions = array<i32: 0>} : vector<16xi32>
      %rev3A_55 = arith.subi %rev3A_53, %rev3A_54 : vector<16xi32>
      %rev3A_56 = tpu.dynamic_gather %masked_cummax3A_51[%rev3A_55] in [0] : vector<16xf32>, vector<16xi32> -> vector<16xf32>
      %broadcast_in_dim3A_57 = arith.constant true
      %broadcast_in_dim3A_58 = vector.broadcast %broadcast_in_dim3A_57 : i1 to vector<16xi1>
      %masked_cummax3A_59 = tpu.scan <max>, %rev3A_56 masked %broadcast_in_dim3A_58 : vector<16xf32>, vector<16xi1> -> vector<16xf32>
      %eq3A = arith.cmpf oeq, %div3A, %masked_cummax3A_59 : vector<16xf32>
      %jit3A = arith.constant 64 : i32
      %broadcast_in_dim3A_60 = vector.broadcast %jit3A : i32 to vector<16xi32>
      %select_n3A = arith.select %eq3A, %iota3A, %broadcast_in_dim3A_60 : vector<16xi1>, vector<16xi32>
      %eq3A_61 = arith.cmpf oeq, %div3A_39, %masked_cummax3A_59 : vector<16xf32>
      %add3A_62 = arith.constant 16 : i32
      %add3A_63 = vector.broadcast %add3A_62 : i32 to vector<16xi32>
      %add3A_64 = arith.addi %iota3A, %add3A_63 : vector<16xi32>
      %jit3A_65 = arith.constant 64 : i32
      %broadcast_in_dim3A_66 = vector.broadcast %jit3A_65 : i32 to vector<16xi32>
      %select_n3A_67 = arith.select %eq3A_61, %add3A_64, %broadcast_in_dim3A_66 : vector<16xi1>, vector<16xi32>
      %min3A = arith.minsi %select_n3A, %select_n3A_67 : vector<16xi32>
      %eq3A_68 = arith.cmpf oeq, %div3A_40, %masked_cummax3A_59 : vector<16xf32>
      %add3A_69 = arith.constant 32 : i32
      %add3A_70 = vector.broadcast %add3A_69 : i32 to vector<16xi32>
      %add3A_71 = arith.addi %iota3A, %add3A_70 : vector<16xi32>
      %jit3A_72 = arith.constant 64 : i32
      %broadcast_in_dim3A_73 = vector.broadcast %jit3A_72 : i32 to vector<16xi32>
      %select_n3A_74 = arith.select %eq3A_68, %add3A_71, %broadcast_in_dim3A_73 : vector<16xi1>, vector<16xi32>
      %min3A_75 = arith.minsi %min3A, %select_n3A_74 : vector<16xi32>
      %eq3A_76 = arith.cmpf oeq, %div3A_41, %masked_cummax3A_59 : vector<16xf32>
      %add3A_77 = arith.constant 48 : i32
      %add3A_78 = vector.broadcast %add3A_77 : i32 to vector<16xi32>
      %add3A_79 = arith.addi %iota3A, %add3A_78 : vector<16xi32>
      %jit3A_80 = arith.constant 64 : i32
      %broadcast_in_dim3A_81 = vector.broadcast %jit3A_80 : i32 to vector<16xi32>
      %select_n3A_82 = arith.select %eq3A_76, %add3A_79, %broadcast_in_dim3A_81 : vector<16xi1>, vector<16xi32>
      %min3A_83 = arith.minsi %min3A_75, %select_n3A_82 : vector<16xi32>
      %neg3A = arith.constant 0 : i32
      %neg3A_84 = vector.broadcast %neg3A : i32 to vector<16xi32>
      %neg3A_85 = arith.subi %neg3A_84, %min3A_83 : vector<16xi32>
      %broadcast_in_dim3A_86 = arith.constant true
      %broadcast_in_dim3A_87 = vector.broadcast %broadcast_in_dim3A_86 : i1 to vector<16xi1>
      %masked_cummax3A_88 = arith.constant -2147483648 : i32
      %masked_cummax3A_89 = vector.broadcast %masked_cummax3A_88 : i32 to vector<16xi32>
      %masked_cummax3A_90 = arith.xori %neg3A_85, %masked_cummax3A_89 : vector<16xi32>
      %masked_cummax3A_91 = tpu.scan <max>, %masked_cummax3A_90 masked %broadcast_in_dim3A_87 : vector<16xi32>, vector<16xi1> -> vector<16xi32>
      %masked_cummax3A_92 = arith.xori %masked_cummax3A_91, %masked_cummax3A_89 : vector<16xi32>
      %rev3A_93 = arith.constant 15 : i32
      %rev3A_94 = vector.broadcast %rev3A_93 : i32 to vector<16xi32>
      %rev3A_95 = tpu.iota {dimensions = array<i32: 0>} : vector<16xi32>
      %rev3A_96 = arith.subi %rev3A_94, %rev3A_95 : vector<16xi32>
      %rev3A_97 = tpu.dynamic_gather %masked_cummax3A_92[%rev3A_96] in [0] : vector<16xi32>, vector<16xi32> -> vector<16xi32>
      %broadcast_in_dim3A_98 = arith.constant true
      %broadcast_in_dim3A_99 = vector.broadcast %broadcast_in_dim3A_98 : i1 to vector<16xi1>
      %masked_cummax3A_100 = arith.constant -2147483648 : i32
      %masked_cummax3A_101 = vector.broadcast %masked_cummax3A_100 : i32 to vector<16xi32>
      %masked_cummax3A_102 = arith.xori %rev3A_97, %masked_cummax3A_101 : vector<16xi32>
      %masked_cummax3A_103 = tpu.scan <max>, %masked_cummax3A_102 masked %broadcast_in_dim3A_99 : vector<16xi32>, vector<16xi1> -> vector<16xi32>
      %masked_cummax3A_104 = arith.xori %masked_cummax3A_103, %masked_cummax3A_101 : vector<16xi32>
      %neg3A_105 = arith.constant 0 : i32
      %neg3A_106 = vector.broadcast %neg3A_105 : i32 to vector<16xi32>
      %neg3A_107 = arith.subi %neg3A_106, %masked_cummax3A_104 : vector<16xi32>
      %eq3A_108 = arith.constant 0 : i32
      %eq3A_109 = vector.broadcast %eq3A_108 : i32 to vector<16xi32>
      %eq3A_110 = arith.cmpi eq, %iota3A, %eq3A_109 : vector<16xi32>
      %select_n3A_111 = arith.select %eq3A_110, %masked_cummax3A_59, %broadcast_in_dim3A_43 : vector<16xi1>, vector<16xf32>
      %eq3A_112 = arith.constant 0 : i32
      %eq3A_113 = vector.broadcast %eq3A_112 : i32 to vector<16xi32>
      %eq3A_114 = arith.cmpi eq, %iota3A, %eq3A_113 : vector<16xi32>
      %select_n3A_115 = arith.select %eq3A_114, %neg3A_107, %broadcast_in_dim3A_45 : vector<16xi1>, vector<16xi32>
      %add3A_116 = arith.constant 0 : i32
      %add3A_117 = vector.broadcast %add3A_116 : i32 to vector<16xi32>
      %add3A_118 = arith.addi %iota3A, %add3A_117 : vector<16xi32>
      %eq3A_119 = arith.cmpi eq, %add3A_118, %neg3A_107 : vector<16xi32>
      %jit3A_120 = arith.constant 0xFF800000 : f32
      %broadcast_in_dim3A_121 = vector.broadcast %jit3A_120 : f32 to vector<16xf32>
      %select_n3A_122 = arith.select %eq3A_119, %broadcast_in_dim3A_121, %div3A : vector<16xi1>, vector<16xf32>
      %add3A_123 = arith.constant 16 : i32
      %add3A_124 = vector.broadcast %add3A_123 : i32 to vector<16xi32>
      %add3A_125 = arith.addi %iota3A, %add3A_124 : vector<16xi32>
      %eq3A_126 = arith.cmpi eq, %add3A_125, %neg3A_107 : vector<16xi32>
      %jit3A_127 = arith.constant 0xFF800000 : f32
      %broadcast_in_dim3A_128 = vector.broadcast %jit3A_127 : f32 to vector<16xf32>
      %select_n3A_129 = arith.select %eq3A_126, %broadcast_in_dim3A_128, %div3A_39 : vector<16xi1>, vector<16xf32>
      %add3A_130 = arith.constant 32 : i32
      %add3A_131 = vector.broadcast %add3A_130 : i32 to vector<16xi32>
      %add3A_132 = arith.addi %iota3A, %add3A_131 : vector<16xi32>
      %eq3A_133 = arith.cmpi eq, %add3A_132, %neg3A_107 : vector<16xi32>
      %jit3A_134 = arith.constant 0xFF800000 : f32
      %broadcast_in_dim3A_135 = vector.broadcast %jit3A_134 : f32 to vector<16xf32>
      %select_n3A_136 = arith.select %eq3A_133, %broadcast_in_dim3A_135, %div3A_40 : vector<16xi1>, vector<16xf32>
      %add3A_137 = arith.constant 48 : i32
      %add3A_138 = vector.broadcast %add3A_137 : i32 to vector<16xi32>
      %add3A_139 = arith.addi %iota3A, %add3A_138 : vector<16xi32>
      %eq3A_140 = arith.cmpi eq, %add3A_139, %neg3A_107 : vector<16xi32>
      %jit3A_141 = arith.constant 0xFF800000 : f32
      %broadcast_in_dim3A_142 = vector.broadcast %jit3A_141 : f32 to vector<16xf32>
      %select_n3A_143 = arith.select %eq3A_140, %broadcast_in_dim3A_142, %div3A_41 : vector<16xi1>, vector<16xf32>
      %max3A_144 = arith.maximumf %select_n3A_122, %select_n3A_129 : vector<16xf32>
      %max3A_145 = arith.maximumf %max3A_144, %select_n3A_136 : vector<16xf32>
      %max3A_146 = arith.maximumf %max3A_145, %select_n3A_143 : vector<16xf32>
      %broadcast_in_dim3A_147 = arith.constant true
      %broadcast_in_dim3A_148 = vector.broadcast %broadcast_in_dim3A_147 : i1 to vector<16xi1>
      %masked_cummax3A_149 = tpu.scan <max>, %max3A_146 masked %broadcast_in_dim3A_148 : vector<16xf32>, vector<16xi1> -> vector<16xf32>
      %rev3A_150 = arith.constant 15 : i32
      %rev3A_151 = vector.broadcast %rev3A_150 : i32 to vector<16xi32>
      %rev3A_152 = tpu.iota {dimensions = array<i32: 0>} : vector<16xi32>
      %rev3A_153 = arith.subi %rev3A_151, %rev3A_152 : vector<16xi32>
      %rev3A_154 = tpu.dynamic_gather %masked_cummax3A_149[%rev3A_153] in [0] : vector<16xf32>, vector<16xi32> -> vector<16xf32>
      %broadcast_in_dim3A_155 = arith.constant true
      %broadcast_in_dim3A_156 = vector.broadcast %broadcast_in_dim3A_155 : i1 to vector<16xi1>
      %masked_cummax3A_157 = tpu.scan <max>, %rev3A_154 masked %broadcast_in_dim3A_156 : vector<16xf32>, vector<16xi1> -> vector<16xf32>
      %eq3A_158 = arith.cmpf oeq, %select_n3A_122, %masked_cummax3A_157 : vector<16xf32>
      %jit3A_159 = arith.constant 64 : i32
      %broadcast_in_dim3A_160 = vector.broadcast %jit3A_159 : i32 to vector<16xi32>
      %select_n3A_161 = arith.select %eq3A_158, %iota3A, %broadcast_in_dim3A_160 : vector<16xi1>, vector<16xi32>
      %eq3A_162 = arith.cmpf oeq, %select_n3A_129, %masked_cummax3A_157 : vector<16xf32>
      %add3A_163 = arith.constant 16 : i32
      %add3A_164 = vector.broadcast %add3A_163 : i32 to vector<16xi32>
      %add3A_165 = arith.addi %iota3A, %add3A_164 : vector<16xi32>
      %jit3A_166 = arith.constant 64 : i32
      %broadcast_in_dim3A_167 = vector.broadcast %jit3A_166 : i32 to vector<16xi32>
      %select_n3A_168 = arith.select %eq3A_162, %add3A_165, %broadcast_in_dim3A_167 : vector<16xi1>, vector<16xi32>
      %min3A_169 = arith.minsi %select_n3A_161, %select_n3A_168 : vector<16xi32>
      %eq3A_170 = arith.cmpf oeq, %select_n3A_136, %masked_cummax3A_157 : vector<16xf32>
      %add3A_171 = arith.constant 32 : i32
      %add3A_172 = vector.broadcast %add3A_171 : i32 to vector<16xi32>
      %add3A_173 = arith.addi %iota3A, %add3A_172 : vector<16xi32>
      %jit3A_174 = arith.constant 64 : i32
      %broadcast_in_dim3A_175 = vector.broadcast %jit3A_174 : i32 to vector<16xi32>
      %select_n3A_176 = arith.select %eq3A_170, %add3A_173, %broadcast_in_dim3A_175 : vector<16xi1>, vector<16xi32>
      %min3A_177 = arith.minsi %min3A_169, %select_n3A_176 : vector<16xi32>
      %eq3A_178 = arith.cmpf oeq, %select_n3A_143, %masked_cummax3A_157 : vector<16xf32>
      %add3A_179 = arith.constant 48 : i32
      %add3A_180 = vector.broadcast %add3A_179 : i32 to vector<16xi32>
      %add3A_181 = arith.addi %iota3A, %add3A_180 : vector<16xi32>
      %jit3A_182 = arith.constant 64 : i32
      %broadcast_in_dim3A_183 = vector.broadcast %jit3A_182 : i32 to vector<16xi32>
      %select_n3A_184 = arith.select %eq3A_178, %add3A_181, %broadcast_in_dim3A_183 : vector<16xi1>, vector<16xi32>
      %min3A_185 = arith.minsi %min3A_177, %select_n3A_184 : vector<16xi32>
      %neg3A_186 = arith.constant 0 : i32
      %neg3A_187 = vector.broadcast %neg3A_186 : i32 to vector<16xi32>
      %neg3A_188 = arith.subi %neg3A_187, %min3A_185 : vector<16xi32>
      %broadcast_in_dim3A_189 = arith.constant true
      %broadcast_in_dim3A_190 = vector.broadcast %broadcast_in_dim3A_189 : i1 to vector<16xi1>
      %masked_cummax3A_191 = arith.constant -2147483648 : i32
      %masked_cummax3A_192 = vector.broadcast %masked_cummax3A_191 : i32 to vector<16xi32>
      %masked_cummax3A_193 = arith.xori %neg3A_188, %masked_cummax3A_192 : vector<16xi32>
      %masked_cummax3A_194 = tpu.scan <max>, %masked_cummax3A_193 masked %broadcast_in_dim3A_190 : vector<16xi32>, vector<16xi1> -> vector<16xi32>
      %masked_cummax3A_195 = arith.xori %masked_cummax3A_194, %masked_cummax3A_192 : vector<16xi32>
      %rev3A_196 = arith.constant 15 : i32
      %rev3A_197 = vector.broadcast %rev3A_196 : i32 to vector<16xi32>
      %rev3A_198 = tpu.iota {dimensions = array<i32: 0>} : vector<16xi32>
      %rev3A_199 = arith.subi %rev3A_197, %rev3A_198 : vector<16xi32>
      %rev3A_200 = tpu.dynamic_gather %masked_cummax3A_195[%rev3A_199] in [0] : vector<16xi32>, vector<16xi32> -> vector<16xi32>
      %broadcast_in_dim3A_201 = arith.constant true
      %broadcast_in_dim3A_202 = vector.broadcast %broadcast_in_dim3A_201 : i1 to vector<16xi1>
      %masked_cummax3A_203 = arith.constant -2147483648 : i32
      %masked_cummax3A_204 = vector.broadcast %masked_cummax3A_203 : i32 to vector<16xi32>
      %masked_cummax3A_205 = arith.xori %rev3A_200, %masked_cummax3A_204 : vector<16xi32>
      %masked_cummax3A_206 = tpu.scan <max>, %masked_cummax3A_205 masked %broadcast_in_dim3A_202 : vector<16xi32>, vector<16xi1> -> vector<16xi32>
      %masked_cummax3A_207 = arith.xori %masked_cummax3A_206, %masked_cummax3A_204 : vector<16xi32>
      %neg3A_208 = arith.constant 0 : i32
      %neg3A_209 = vector.broadcast %neg3A_208 : i32 to vector<16xi32>
      %neg3A_210 = arith.subi %neg3A_209, %masked_cummax3A_207 : vector<16xi32>
      %eq3A_211 = arith.constant 1 : i32
      %eq3A_212 = vector.broadcast %eq3A_211 : i32 to vector<16xi32>
      %eq3A_213 = arith.cmpi eq, %iota3A, %eq3A_212 : vector<16xi32>
      %select_n3A_214 = arith.select %eq3A_213, %masked_cummax3A_157, %select_n3A_111 : vector<16xi1>, vector<16xf32>
      %eq3A_215 = arith.constant 1 : i32
      %eq3A_216 = vector.broadcast %eq3A_215 : i32 to vector<16xi32>
      %eq3A_217 = arith.cmpi eq, %iota3A, %eq3A_216 : vector<16xi32>
      %select_n3A_218 = arith.select %eq3A_217, %neg3A_210, %select_n3A_115 : vector<16xi1>, vector<16xi32>
      %add3A_219 = arith.constant 0 : i32
      %add3A_220 = vector.broadcast %add3A_219 : i32 to vector<16xi32>
      %add3A_221 = arith.addi %iota3A, %add3A_220 : vector<16xi32>
      %eq3A_222 = arith.cmpi eq, %add3A_221, %neg3A_210 : vector<16xi32>
      %jit3A_223 = arith.constant 0xFF800000 : f32
      %broadcast_in_dim3A_224 = vector.broadcast %jit3A_223 : f32 to vector<16xf32>
      %select_n3A_225 = arith.select %eq3A_222, %broadcast_in_dim3A_224, %select_n3A_122 : vector<16xi1>, vector<16xf32>
      %add3A_226 = arith.constant 16 : i32
      %add3A_227 = vector.broadcast %add3A_226 : i32 to vector<16xi32>
      %add3A_228 = arith.addi %iota3A, %add3A_227 : vector<16xi32>
      %eq3A_229 = arith.cmpi eq, %add3A_228, %neg3A_210 : vector<16xi32>
      %jit3A_230 = arith.constant 0xFF800000 : f32
      %broadcast_in_dim3A_231 = vector.broadcast %jit3A_230 : f32 to vector<16xf32>
      %select_n3A_232 = arith.select %eq3A_229, %broadcast_in_dim3A_231, %select_n3A_129 : vector<16xi1>, vector<16xf32>
      %add3A_233 = arith.constant 32 : i32
      %add3A_234 = vector.broadcast %add3A_233 : i32 to vector<16xi32>
      %add3A_235 = arith.addi %iota3A, %add3A_234 : vector<16xi32>
      %eq3A_236 = arith.cmpi eq, %add3A_235, %neg3A_210 : vector<16xi32>
      %jit3A_237 = arith.constant 0xFF800000 : f32
      %broadcast_in_dim3A_238 = vector.broadcast %jit3A_237 : f32 to vector<16xf32>
      %select_n3A_239 = arith.select %eq3A_236, %broadcast_in_dim3A_238, %select_n3A_136 : vector<16xi1>, vector<16xf32>
      %add3A_240 = arith.constant 48 : i32
      %add3A_241 = vector.broadcast %add3A_240 : i32 to vector<16xi32>
      %add3A_242 = arith.addi %iota3A, %add3A_241 : vector<16xi32>
      %eq3A_243 = arith.cmpi eq, %add3A_242, %neg3A_210 : vector<16xi32>
      %jit3A_244 = arith.constant 0xFF800000 : f32
      %broadcast_in_dim3A_245 = vector.broadcast %jit3A_244 : f32 to vector<16xf32>
      %select_n3A_246 = arith.select %eq3A_243, %broadcast_in_dim3A_245, %select_n3A_143 : vector<16xi1>, vector<16xf32>
      %max3A_247 = arith.maximumf %select_n3A_225, %select_n3A_232 : vector<16xf32>
      %max3A_248 = arith.maximumf %max3A_247, %select_n3A_239 : vector<16xf32>
      %max3A_249 = arith.maximumf %max3A_248, %select_n3A_246 : vector<16xf32>
      %broadcast_in_dim3A_250 = arith.constant true
      %broadcast_in_dim3A_251 = vector.broadcast %broadcast_in_dim3A_250 : i1 to vector<16xi1>
      %masked_cummax3A_252 = tpu.scan <max>, %max3A_249 masked %broadcast_in_dim3A_251 : vector<16xf32>, vector<16xi1> -> vector<16xf32>
      %rev3A_253 = arith.constant 15 : i32
      %rev3A_254 = vector.broadcast %rev3A_253 : i32 to vector<16xi32>
      %rev3A_255 = tpu.iota {dimensions = array<i32: 0>} : vector<16xi32>
      %rev3A_256 = arith.subi %rev3A_254, %rev3A_255 : vector<16xi32>
      %rev3A_257 = tpu.dynamic_gather %masked_cummax3A_252[%rev3A_256] in [0] : vector<16xf32>, vector<16xi32> -> vector<16xf32>
      %broadcast_in_dim3A_258 = arith.constant true
      %broadcast_in_dim3A_259 = vector.broadcast %broadcast_in_dim3A_258 : i1 to vector<16xi1>
      %masked_cummax3A_260 = tpu.scan <max>, %rev3A_257 masked %broadcast_in_dim3A_259 : vector<16xf32>, vector<16xi1> -> vector<16xf32>
      %eq3A_261 = arith.cmpf oeq, %select_n3A_225, %masked_cummax3A_260 : vector<16xf32>
      %jit3A_262 = arith.constant 64 : i32
      %broadcast_in_dim3A_263 = vector.broadcast %jit3A_262 : i32 to vector<16xi32>
      %select_n3A_264 = arith.select %eq3A_261, %iota3A, %broadcast_in_dim3A_263 : vector<16xi1>, vector<16xi32>
      %eq3A_265 = arith.cmpf oeq, %select_n3A_232, %masked_cummax3A_260 : vector<16xf32>
      %add3A_266 = arith.constant 16 : i32
      %add3A_267 = vector.broadcast %add3A_266 : i32 to vector<16xi32>
      %add3A_268 = arith.addi %iota3A, %add3A_267 : vector<16xi32>
      %jit3A_269 = arith.constant 64 : i32
      %broadcast_in_dim3A_270 = vector.broadcast %jit3A_269 : i32 to vector<16xi32>
      %select_n3A_271 = arith.select %eq3A_265, %add3A_268, %broadcast_in_dim3A_270 : vector<16xi1>, vector<16xi32>
      %min3A_272 = arith.minsi %select_n3A_264, %select_n3A_271 : vector<16xi32>
      %eq3A_273 = arith.cmpf oeq, %select_n3A_239, %masked_cummax3A_260 : vector<16xf32>
      %add3A_274 = arith.constant 32 : i32
      %add3A_275 = vector.broadcast %add3A_274 : i32 to vector<16xi32>
      %add3A_276 = arith.addi %iota3A, %add3A_275 : vector<16xi32>
      %jit3A_277 = arith.constant 64 : i32
      %broadcast_in_dim3A_278 = vector.broadcast %jit3A_277 : i32 to vector<16xi32>
      %select_n3A_279 = arith.select %eq3A_273, %add3A_276, %broadcast_in_dim3A_278 : vector<16xi1>, vector<16xi32>
      %min3A_280 = arith.minsi %min3A_272, %select_n3A_279 : vector<16xi32>
      %eq3A_281 = arith.cmpf oeq, %select_n3A_246, %masked_cummax3A_260 : vector<16xf32>
      %add3A_282 = arith.constant 48 : i32
      %add3A_283 = vector.broadcast %add3A_282 : i32 to vector<16xi32>
      %add3A_284 = arith.addi %iota3A, %add3A_283 : vector<16xi32>
      %jit3A_285 = arith.constant 64 : i32
      %broadcast_in_dim3A_286 = vector.broadcast %jit3A_285 : i32 to vector<16xi32>
      %select_n3A_287 = arith.select %eq3A_281, %add3A_284, %broadcast_in_dim3A_286 : vector<16xi1>, vector<16xi32>
      %min3A_288 = arith.minsi %min3A_280, %select_n3A_287 : vector<16xi32>
      %neg3A_289 = arith.constant 0 : i32
      %neg3A_290 = vector.broadcast %neg3A_289 : i32 to vector<16xi32>
      %neg3A_291 = arith.subi %neg3A_290, %min3A_288 : vector<16xi32>
      %broadcast_in_dim3A_292 = arith.constant true
      %broadcast_in_dim3A_293 = vector.broadcast %broadcast_in_dim3A_292 : i1 to vector<16xi1>
      %masked_cummax3A_294 = arith.constant -2147483648 : i32
      %masked_cummax3A_295 = vector.broadcast %masked_cummax3A_294 : i32 to vector<16xi32>
      %masked_cummax3A_296 = arith.xori %neg3A_291, %masked_cummax3A_295 : vector<16xi32>
      %masked_cummax3A_297 = tpu.scan <max>, %masked_cummax3A_296 masked %broadcast_in_dim3A_293 : vector<16xi32>, vector<16xi1> -> vector<16xi32>
      %masked_cummax3A_298 = arith.xori %masked_cummax3A_297, %masked_cummax3A_295 : vector<16xi32>
      %rev3A_299 = arith.constant 15 : i32
      %rev3A_300 = vector.broadcast %rev3A_299 : i32 to vector<16xi32>
      %rev3A_301 = tpu.iota {dimensions = array<i32: 0>} : vector<16xi32>
      %rev3A_302 = arith.subi %rev3A_300, %rev3A_301 : vector<16xi32>
      %rev3A_303 = tpu.dynamic_gather %masked_cummax3A_298[%rev3A_302] in [0] : vector<16xi32>, vector<16xi32> -> vector<16xi32>
      %broadcast_in_dim3A_304 = arith.constant true
      %broadcast_in_dim3A_305 = vector.broadcast %broadcast_in_dim3A_304 : i1 to vector<16xi1>
      %masked_cummax3A_306 = arith.constant -2147483648 : i32
      %masked_cummax3A_307 = vector.broadcast %masked_cummax3A_306 : i32 to vector<16xi32>
      %masked_cummax3A_308 = arith.xori %rev3A_303, %masked_cummax3A_307 : vector<16xi32>
      %masked_cummax3A_309 = tpu.scan <max>, %masked_cummax3A_308 masked %broadcast_in_dim3A_305 : vector<16xi32>, vector<16xi1> -> vector<16xi32>
      %masked_cummax3A_310 = arith.xori %masked_cummax3A_309, %masked_cummax3A_307 : vector<16xi32>
      %neg3A_311 = arith.constant 0 : i32
      %neg3A_312 = vector.broadcast %neg3A_311 : i32 to vector<16xi32>
      %neg3A_313 = arith.subi %neg3A_312, %masked_cummax3A_310 : vector<16xi32>
      %eq3A_314 = arith.constant 2 : i32
      %eq3A_315 = vector.broadcast %eq3A_314 : i32 to vector<16xi32>
      %eq3A_316 = arith.cmpi eq, %iota3A, %eq3A_315 : vector<16xi32>
      %select_n3A_317 = arith.select %eq3A_316, %masked_cummax3A_260, %select_n3A_214 : vector<16xi1>, vector<16xf32>
      %eq3A_318 = arith.constant 2 : i32
      %eq3A_319 = vector.broadcast %eq3A_318 : i32 to vector<16xi32>
      %eq3A_320 = arith.cmpi eq, %iota3A, %eq3A_319 : vector<16xi32>
      %select_n3A_321 = arith.select %eq3A_320, %neg3A_313, %select_n3A_218 : vector<16xi1>, vector<16xi32>
      %add3A_322 = arith.constant 0 : i32
      %add3A_323 = vector.broadcast %add3A_322 : i32 to vector<16xi32>
      %add3A_324 = arith.addi %iota3A, %add3A_323 : vector<16xi32>
      %eq3A_325 = arith.cmpi eq, %add3A_324, %neg3A_313 : vector<16xi32>
      %jit3A_326 = arith.constant 0xFF800000 : f32
      %broadcast_in_dim3A_327 = vector.broadcast %jit3A_326 : f32 to vector<16xf32>
      %select_n3A_328 = arith.select %eq3A_325, %broadcast_in_dim3A_327, %select_n3A_225 : vector<16xi1>, vector<16xf32>
      %add3A_329 = arith.constant 16 : i32
      %add3A_330 = vector.broadcast %add3A_329 : i32 to vector<16xi32>
      %add3A_331 = arith.addi %iota3A, %add3A_330 : vector<16xi32>
      %eq3A_332 = arith.cmpi eq, %add3A_331, %neg3A_313 : vector<16xi32>
      %jit3A_333 = arith.constant 0xFF800000 : f32
      %broadcast_in_dim3A_334 = vector.broadcast %jit3A_333 : f32 to vector<16xf32>
      %select_n3A_335 = arith.select %eq3A_332, %broadcast_in_dim3A_334, %select_n3A_232 : vector<16xi1>, vector<16xf32>
      %add3A_336 = arith.constant 32 : i32
      %add3A_337 = vector.broadcast %add3A_336 : i32 to vector<16xi32>
      %add3A_338 = arith.addi %iota3A, %add3A_337 : vector<16xi32>
      %eq3A_339 = arith.cmpi eq, %add3A_338, %neg3A_313 : vector<16xi32>
      %jit3A_340 = arith.constant 0xFF800000 : f32
      %broadcast_in_dim3A_341 = vector.broadcast %jit3A_340 : f32 to vector<16xf32>
      %select_n3A_342 = arith.select %eq3A_339, %broadcast_in_dim3A_341, %select_n3A_239 : vector<16xi1>, vector<16xf32>
      %add3A_343 = arith.constant 48 : i32
      %add3A_344 = vector.broadcast %add3A_343 : i32 to vector<16xi32>
      %add3A_345 = arith.addi %iota3A, %add3A_344 : vector<16xi32>
      %eq3A_346 = arith.cmpi eq, %add3A_345, %neg3A_313 : vector<16xi32>
      %jit3A_347 = arith.constant 0xFF800000 : f32
      %broadcast_in_dim3A_348 = vector.broadcast %jit3A_347 : f32 to vector<16xf32>
      %select_n3A_349 = arith.select %eq3A_346, %broadcast_in_dim3A_348, %select_n3A_246 : vector<16xi1>, vector<16xf32>
      %max3A_350 = arith.maximumf %select_n3A_328, %select_n3A_335 : vector<16xf32>
      %max3A_351 = arith.maximumf %max3A_350, %select_n3A_342 : vector<16xf32>
      %max3A_352 = arith.maximumf %max3A_351, %select_n3A_349 : vector<16xf32>
      %broadcast_in_dim3A_353 = arith.constant true
      %broadcast_in_dim3A_354 = vector.broadcast %broadcast_in_dim3A_353 : i1 to vector<16xi1>
      %masked_cummax3A_355 = tpu.scan <max>, %max3A_352 masked %broadcast_in_dim3A_354 : vector<16xf32>, vector<16xi1> -> vector<16xf32>
      %rev3A_356 = arith.constant 15 : i32
      %rev3A_357 = vector.broadcast %rev3A_356 : i32 to vector<16xi32>
      %rev3A_358 = tpu.iota {dimensions = array<i32: 0>} : vector<16xi32>
      %rev3A_359 = arith.subi %rev3A_357, %rev3A_358 : vector<16xi32>
      %rev3A_360 = tpu.dynamic_gather %masked_cummax3A_355[%rev3A_359] in [0] : vector<16xf32>, vector<16xi32> -> vector<16xf32>
      %broadcast_in_dim3A_361 = arith.constant true
      %broadcast_in_dim3A_362 = vector.broadcast %broadcast_in_dim3A_361 : i1 to vector<16xi1>
      %masked_cummax3A_363 = tpu.scan <max>, %rev3A_360 masked %broadcast_in_dim3A_362 : vector<16xf32>, vector<16xi1> -> vector<16xf32>
      %eq3A_364 = arith.cmpf oeq, %select_n3A_328, %masked_cummax3A_363 : vector<16xf32>
      %jit3A_365 = arith.constant 64 : i32
      %broadcast_in_dim3A_366 = vector.broadcast %jit3A_365 : i32 to vector<16xi32>
      %select_n3A_367 = arith.select %eq3A_364, %iota3A, %broadcast_in_dim3A_366 : vector<16xi1>, vector<16xi32>
      %eq3A_368 = arith.cmpf oeq, %select_n3A_335, %masked_cummax3A_363 : vector<16xf32>
      %add3A_369 = arith.constant 16 : i32
      %add3A_370 = vector.broadcast %add3A_369 : i32 to vector<16xi32>
      %add3A_371 = arith.addi %iota3A, %add3A_370 : vector<16xi32>
      %jit3A_372 = arith.constant 64 : i32
      %broadcast_in_dim3A_373 = vector.broadcast %jit3A_372 : i32 to vector<16xi32>
      %select_n3A_374 = arith.select %eq3A_368, %add3A_371, %broadcast_in_dim3A_373 : vector<16xi1>, vector<16xi32>
      %min3A_375 = arith.minsi %select_n3A_367, %select_n3A_374 : vector<16xi32>
      %eq3A_376 = arith.cmpf oeq, %select_n3A_342, %masked_cummax3A_363 : vector<16xf32>
      %add3A_377 = arith.constant 32 : i32
      %add3A_378 = vector.broadcast %add3A_377 : i32 to vector<16xi32>
      %add3A_379 = arith.addi %iota3A, %add3A_378 : vector<16xi32>
      %jit3A_380 = arith.constant 64 : i32
      %broadcast_in_dim3A_381 = vector.broadcast %jit3A_380 : i32 to vector<16xi32>
      %select_n3A_382 = arith.select %eq3A_376, %add3A_379, %broadcast_in_dim3A_381 : vector<16xi1>, vector<16xi32>
      %min3A_383 = arith.minsi %min3A_375, %select_n3A_382 : vector<16xi32>
      %eq3A_384 = arith.cmpf oeq, %select_n3A_349, %masked_cummax3A_363 : vector<16xf32>
      %add3A_385 = arith.constant 48 : i32
      %add3A_386 = vector.broadcast %add3A_385 : i32 to vector<16xi32>
      %add3A_387 = arith.addi %iota3A, %add3A_386 : vector<16xi32>
      %jit3A_388 = arith.constant 64 : i32
      %broadcast_in_dim3A_389 = vector.broadcast %jit3A_388 : i32 to vector<16xi32>
      %select_n3A_390 = arith.select %eq3A_384, %add3A_387, %broadcast_in_dim3A_389 : vector<16xi1>, vector<16xi32>
      %min3A_391 = arith.minsi %min3A_383, %select_n3A_390 : vector<16xi32>
      %neg3A_392 = arith.constant 0 : i32
      %neg3A_393 = vector.broadcast %neg3A_392 : i32 to vector<16xi32>
      %neg3A_394 = arith.subi %neg3A_393, %min3A_391 : vector<16xi32>
      %broadcast_in_dim3A_395 = arith.constant true
      %broadcast_in_dim3A_396 = vector.broadcast %broadcast_in_dim3A_395 : i1 to vector<16xi1>
      %masked_cummax3A_397 = arith.constant -2147483648 : i32
      %masked_cummax3A_398 = vector.broadcast %masked_cummax3A_397 : i32 to vector<16xi32>
      %masked_cummax3A_399 = arith.xori %neg3A_394, %masked_cummax3A_398 : vector<16xi32>
      %masked_cummax3A_400 = tpu.scan <max>, %masked_cummax3A_399 masked %broadcast_in_dim3A_396 : vector<16xi32>, vector<16xi1> -> vector<16xi32>
      %masked_cummax3A_401 = arith.xori %masked_cummax3A_400, %masked_cummax3A_398 : vector<16xi32>
      %rev3A_402 = arith.constant 15 : i32
      %rev3A_403 = vector.broadcast %rev3A_402 : i32 to vector<16xi32>
      %rev3A_404 = tpu.iota {dimensions = array<i32: 0>} : vector<16xi32>
      %rev3A_405 = arith.subi %rev3A_403, %rev3A_404 : vector<16xi32>
      %rev3A_406 = tpu.dynamic_gather %masked_cummax3A_401[%rev3A_405] in [0] : vector<16xi32>, vector<16xi32> -> vector<16xi32>
      %broadcast_in_dim3A_407 = arith.constant true
      %broadcast_in_dim3A_408 = vector.broadcast %broadcast_in_dim3A_407 : i1 to vector<16xi1>
      %masked_cummax3A_409 = arith.constant -2147483648 : i32
      %masked_cummax3A_410 = vector.broadcast %masked_cummax3A_409 : i32 to vector<16xi32>
      %masked_cummax3A_411 = arith.xori %rev3A_406, %masked_cummax3A_410 : vector<16xi32>
      %masked_cummax3A_412 = tpu.scan <max>, %masked_cummax3A_411 masked %broadcast_in_dim3A_408 : vector<16xi32>, vector<16xi1> -> vector<16xi32>
      %masked_cummax3A_413 = arith.xori %masked_cummax3A_412, %masked_cummax3A_410 : vector<16xi32>
      %neg3A_414 = arith.constant 0 : i32
      %neg3A_415 = vector.broadcast %neg3A_414 : i32 to vector<16xi32>
      %neg3A_416 = arith.subi %neg3A_415, %masked_cummax3A_413 : vector<16xi32>
      %eq3A_417 = arith.constant 3 : i32
      %eq3A_418 = vector.broadcast %eq3A_417 : i32 to vector<16xi32>
      %eq3A_419 = arith.cmpi eq, %iota3A, %eq3A_418 : vector<16xi32>
      %select_n3A_420 = arith.select %eq3A_419, %masked_cummax3A_363, %select_n3A_317 : vector<16xi1>, vector<16xf32>
      %eq3A_421 = arith.constant 3 : i32
      %eq3A_422 = vector.broadcast %eq3A_421 : i32 to vector<16xi32>
      %eq3A_423 = arith.cmpi eq, %iota3A, %eq3A_422 : vector<16xi32>
      %select_n3A_424 = arith.select %eq3A_423, %neg3A_416, %select_n3A_321 : vector<16xi1>, vector<16xi32>
      %add3A_425 = arith.constant 0 : i32
      %add3A_426 = vector.broadcast %add3A_425 : i32 to vector<16xi32>
      %add3A_427 = arith.addi %iota3A, %add3A_426 : vector<16xi32>
      %eq3A_428 = arith.cmpi eq, %add3A_427, %neg3A_416 : vector<16xi32>
      %jit3A_429 = arith.constant 0xFF800000 : f32
      %broadcast_in_dim3A_430 = vector.broadcast %jit3A_429 : f32 to vector<16xf32>
      %select_n3A_431 = arith.select %eq3A_428, %broadcast_in_dim3A_430, %select_n3A_328 : vector<16xi1>, vector<16xf32>
      %add3A_432 = arith.constant 16 : i32
      %add3A_433 = vector.broadcast %add3A_432 : i32 to vector<16xi32>
      %add3A_434 = arith.addi %iota3A, %add3A_433 : vector<16xi32>
      %eq3A_435 = arith.cmpi eq, %add3A_434, %neg3A_416 : vector<16xi32>
      %jit3A_436 = arith.constant 0xFF800000 : f32
      %broadcast_in_dim3A_437 = vector.broadcast %jit3A_436 : f32 to vector<16xf32>
      %select_n3A_438 = arith.select %eq3A_435, %broadcast_in_dim3A_437, %select_n3A_335 : vector<16xi1>, vector<16xf32>
      %add3A_439 = arith.constant 32 : i32
      %add3A_440 = vector.broadcast %add3A_439 : i32 to vector<16xi32>
      %add3A_441 = arith.addi %iota3A, %add3A_440 : vector<16xi32>
      %eq3A_442 = arith.cmpi eq, %add3A_441, %neg3A_416 : vector<16xi32>
      %jit3A_443 = arith.constant 0xFF800000 : f32
      %broadcast_in_dim3A_444 = vector.broadcast %jit3A_443 : f32 to vector<16xf32>
      %select_n3A_445 = arith.select %eq3A_442, %broadcast_in_dim3A_444, %select_n3A_342 : vector<16xi1>, vector<16xf32>
      %add3A_446 = arith.constant 48 : i32
      %add3A_447 = vector.broadcast %add3A_446 : i32 to vector<16xi32>
      %add3A_448 = arith.addi %iota3A, %add3A_447 : vector<16xi32>
      %eq3A_449 = arith.cmpi eq, %add3A_448, %neg3A_416 : vector<16xi32>
      %jit3A_450 = arith.constant 0xFF800000 : f32
      %broadcast_in_dim3A_451 = vector.broadcast %jit3A_450 : f32 to vector<16xf32>
      %select_n3A_452 = arith.select %eq3A_449, %broadcast_in_dim3A_451, %select_n3A_349 : vector<16xi1>, vector<16xf32>
      %max3A_453 = arith.maximumf %select_n3A_431, %select_n3A_438 : vector<16xf32>
      %max3A_454 = arith.maximumf %max3A_453, %select_n3A_445 : vector<16xf32>
      %max3A_455 = arith.maximumf %max3A_454, %select_n3A_452 : vector<16xf32>
      %broadcast_in_dim3A_456 = arith.constant true
      %broadcast_in_dim3A_457 = vector.broadcast %broadcast_in_dim3A_456 : i1 to vector<16xi1>
      %masked_cummax3A_458 = tpu.scan <max>, %max3A_455 masked %broadcast_in_dim3A_457 : vector<16xf32>, vector<16xi1> -> vector<16xf32>
      %rev3A_459 = arith.constant 15 : i32
      %rev3A_460 = vector.broadcast %rev3A_459 : i32 to vector<16xi32>
      %rev3A_461 = tpu.iota {dimensions = array<i32: 0>} : vector<16xi32>
      %rev3A_462 = arith.subi %rev3A_460, %rev3A_461 : vector<16xi32>
      %rev3A_463 = tpu.dynamic_gather %masked_cummax3A_458[%rev3A_462] in [0] : vector<16xf32>, vector<16xi32> -> vector<16xf32>
      %broadcast_in_dim3A_464 = arith.constant true
      %broadcast_in_dim3A_465 = vector.broadcast %broadcast_in_dim3A_464 : i1 to vector<16xi1>
      %masked_cummax3A_466 = tpu.scan <max>, %rev3A_463 masked %broadcast_in_dim3A_465 : vector<16xf32>, vector<16xi1> -> vector<16xf32>
      %eq3A_467 = arith.cmpf oeq, %select_n3A_431, %masked_cummax3A_466 : vector<16xf32>
      %jit3A_468 = arith.constant 64 : i32
      %broadcast_in_dim3A_469 = vector.broadcast %jit3A_468 : i32 to vector<16xi32>
      %select_n3A_470 = arith.select %eq3A_467, %iota3A, %broadcast_in_dim3A_469 : vector<16xi1>, vector<16xi32>
      %eq3A_471 = arith.cmpf oeq, %select_n3A_438, %masked_cummax3A_466 : vector<16xf32>
      %add3A_472 = arith.constant 16 : i32
      %add3A_473 = vector.broadcast %add3A_472 : i32 to vector<16xi32>
      %add3A_474 = arith.addi %iota3A, %add3A_473 : vector<16xi32>
      %jit3A_475 = arith.constant 64 : i32
      %broadcast_in_dim3A_476 = vector.broadcast %jit3A_475 : i32 to vector<16xi32>
      %select_n3A_477 = arith.select %eq3A_471, %add3A_474, %broadcast_in_dim3A_476 : vector<16xi1>, vector<16xi32>
      %min3A_478 = arith.minsi %select_n3A_470, %select_n3A_477 : vector<16xi32>
      %eq3A_479 = arith.cmpf oeq, %select_n3A_445, %masked_cummax3A_466 : vector<16xf32>
      %add3A_480 = arith.constant 32 : i32
      %add3A_481 = vector.broadcast %add3A_480 : i32 to vector<16xi32>
      %add3A_482 = arith.addi %iota3A, %add3A_481 : vector<16xi32>
      %jit3A_483 = arith.constant 64 : i32
      %broadcast_in_dim3A_484 = vector.broadcast %jit3A_483 : i32 to vector<16xi32>
      %select_n3A_485 = arith.select %eq3A_479, %add3A_482, %broadcast_in_dim3A_484 : vector<16xi1>, vector<16xi32>
      %min3A_486 = arith.minsi %min3A_478, %select_n3A_485 : vector<16xi32>
      %eq3A_487 = arith.cmpf oeq, %select_n3A_452, %masked_cummax3A_466 : vector<16xf32>
      %add3A_488 = arith.constant 48 : i32
      %add3A_489 = vector.broadcast %add3A_488 : i32 to vector<16xi32>
      %add3A_490 = arith.addi %iota3A, %add3A_489 : vector<16xi32>
      %jit3A_491 = arith.constant 64 : i32
      %broadcast_in_dim3A_492 = vector.broadcast %jit3A_491 : i32 to vector<16xi32>
      %select_n3A_493 = arith.select %eq3A_487, %add3A_490, %broadcast_in_dim3A_492 : vector<16xi1>, vector<16xi32>
      %min3A_494 = arith.minsi %min3A_486, %select_n3A_493 : vector<16xi32>
      %neg3A_495 = arith.constant 0 : i32
      %neg3A_496 = vector.broadcast %neg3A_495 : i32 to vector<16xi32>
      %neg3A_497 = arith.subi %neg3A_496, %min3A_494 : vector<16xi32>
      %broadcast_in_dim3A_498 = arith.constant true
      %broadcast_in_dim3A_499 = vector.broadcast %broadcast_in_dim3A_498 : i1 to vector<16xi1>
      %masked_cummax3A_500 = arith.constant -2147483648 : i32
      %masked_cummax3A_501 = vector.broadcast %masked_cummax3A_500 : i32 to vector<16xi32>
      %masked_cummax3A_502 = arith.xori %neg3A_497, %masked_cummax3A_501 : vector<16xi32>
      %masked_cummax3A_503 = tpu.scan <max>, %masked_cummax3A_502 masked %broadcast_in_dim3A_499 : vector<16xi32>, vector<16xi1> -> vector<16xi32>
      %masked_cummax3A_504 = arith.xori %masked_cummax3A_503, %masked_cummax3A_501 : vector<16xi32>
      %rev3A_505 = arith.constant 15 : i32
      %rev3A_506 = vector.broadcast %rev3A_505 : i32 to vector<16xi32>
      %rev3A_507 = tpu.iota {dimensions = array<i32: 0>} : vector<16xi32>
      %rev3A_508 = arith.subi %rev3A_506, %rev3A_507 : vector<16xi32>
      %rev3A_509 = tpu.dynamic_gather %masked_cummax3A_504[%rev3A_508] in [0] : vector<16xi32>, vector<16xi32> -> vector<16xi32>
      %broadcast_in_dim3A_510 = arith.constant true
      %broadcast_in_dim3A_511 = vector.broadcast %broadcast_in_dim3A_510 : i1 to vector<16xi1>
      %masked_cummax3A_512 = arith.constant -2147483648 : i32
      %masked_cummax3A_513 = vector.broadcast %masked_cummax3A_512 : i32 to vector<16xi32>
      %masked_cummax3A_514 = arith.xori %rev3A_509, %masked_cummax3A_513 : vector<16xi32>
      %masked_cummax3A_515 = tpu.scan <max>, %masked_cummax3A_514 masked %broadcast_in_dim3A_511 : vector<16xi32>, vector<16xi1> -> vector<16xi32>
      %masked_cummax3A_516 = arith.xori %masked_cummax3A_515, %masked_cummax3A_513 : vector<16xi32>
      %neg3A_517 = arith.constant 0 : i32
      %neg3A_518 = vector.broadcast %neg3A_517 : i32 to vector<16xi32>
      %neg3A_519 = arith.subi %neg3A_518, %masked_cummax3A_516 : vector<16xi32>
      %eq3A_520 = arith.constant 4 : i32
      %eq3A_521 = vector.broadcast %eq3A_520 : i32 to vector<16xi32>
      %eq3A_522 = arith.cmpi eq, %iota3A, %eq3A_521 : vector<16xi32>
      %select_n3A_523 = arith.select %eq3A_522, %masked_cummax3A_466, %select_n3A_420 : vector<16xi1>, vector<16xf32>
      %eq3A_524 = arith.constant 4 : i32
      %eq3A_525 = vector.broadcast %eq3A_524 : i32 to vector<16xi32>
      %eq3A_526 = arith.cmpi eq, %iota3A, %eq3A_525 : vector<16xi32>
      %select_n3A_527 = arith.select %eq3A_526, %neg3A_519, %select_n3A_424 : vector<16xi1>, vector<16xi32>
      %add3A_528 = arith.constant 0 : i32
      %add3A_529 = vector.broadcast %add3A_528 : i32 to vector<16xi32>
      %add3A_530 = arith.addi %iota3A, %add3A_529 : vector<16xi32>
      %eq3A_531 = arith.cmpi eq, %add3A_530, %neg3A_519 : vector<16xi32>
      %jit3A_532 = arith.constant 0xFF800000 : f32
      %broadcast_in_dim3A_533 = vector.broadcast %jit3A_532 : f32 to vector<16xf32>
      %select_n3A_534 = arith.select %eq3A_531, %broadcast_in_dim3A_533, %select_n3A_431 : vector<16xi1>, vector<16xf32>
      %add3A_535 = arith.constant 16 : i32
      %add3A_536 = vector.broadcast %add3A_535 : i32 to vector<16xi32>
      %add3A_537 = arith.addi %iota3A, %add3A_536 : vector<16xi32>
      %eq3A_538 = arith.cmpi eq, %add3A_537, %neg3A_519 : vector<16xi32>
      %jit3A_539 = arith.constant 0xFF800000 : f32
      %broadcast_in_dim3A_540 = vector.broadcast %jit3A_539 : f32 to vector<16xf32>
      %select_n3A_541 = arith.select %eq3A_538, %broadcast_in_dim3A_540, %select_n3A_438 : vector<16xi1>, vector<16xf32>
      %add3A_542 = arith.constant 32 : i32
      %add3A_543 = vector.broadcast %add3A_542 : i32 to vector<16xi32>
      %add3A_544 = arith.addi %iota3A, %add3A_543 : vector<16xi32>
      %eq3A_545 = arith.cmpi eq, %add3A_544, %neg3A_519 : vector<16xi32>
      %jit3A_546 = arith.constant 0xFF800000 : f32
      %broadcast_in_dim3A_547 = vector.broadcast %jit3A_546 : f32 to vector<16xf32>
      %select_n3A_548 = arith.select %eq3A_545, %broadcast_in_dim3A_547, %select_n3A_445 : vector<16xi1>, vector<16xf32>
      %add3A_549 = arith.constant 48 : i32
      %add3A_550 = vector.broadcast %add3A_549 : i32 to vector<16xi32>
      %add3A_551 = arith.addi %iota3A, %add3A_550 : vector<16xi32>
      %eq3A_552 = arith.cmpi eq, %add3A_551, %neg3A_519 : vector<16xi32>
      %jit3A_553 = arith.constant 0xFF800000 : f32
      %broadcast_in_dim3A_554 = vector.broadcast %jit3A_553 : f32 to vector<16xf32>
      %select_n3A_555 = arith.select %eq3A_552, %broadcast_in_dim3A_554, %select_n3A_452 : vector<16xi1>, vector<16xf32>
      %max3A_556 = arith.maximumf %select_n3A_534, %select_n3A_541 : vector<16xf32>
      %max3A_557 = arith.maximumf %max3A_556, %select_n3A_548 : vector<16xf32>
      %max3A_558 = arith.maximumf %max3A_557, %select_n3A_555 : vector<16xf32>
      %broadcast_in_dim3A_559 = arith.constant true
      %broadcast_in_dim3A_560 = vector.broadcast %broadcast_in_dim3A_559 : i1 to vector<16xi1>
      %masked_cummax3A_561 = tpu.scan <max>, %max3A_558 masked %broadcast_in_dim3A_560 : vector<16xf32>, vector<16xi1> -> vector<16xf32>
      %rev3A_562 = arith.constant 15 : i32
      %rev3A_563 = vector.broadcast %rev3A_562 : i32 to vector<16xi32>
      %rev3A_564 = tpu.iota {dimensions = array<i32: 0>} : vector<16xi32>
      %rev3A_565 = arith.subi %rev3A_563, %rev3A_564 : vector<16xi32>
      %rev3A_566 = tpu.dynamic_gather %masked_cummax3A_561[%rev3A_565] in [0] : vector<16xf32>, vector<16xi32> -> vector<16xf32>
      %broadcast_in_dim3A_567 = arith.constant true
      %broadcast_in_dim3A_568 = vector.broadcast %broadcast_in_dim3A_567 : i1 to vector<16xi1>
      %masked_cummax3A_569 = tpu.scan <max>, %rev3A_566 masked %broadcast_in_dim3A_568 : vector<16xf32>, vector<16xi1> -> vector<16xf32>
      %eq3A_570 = arith.cmpf oeq, %select_n3A_534, %masked_cummax3A_569 : vector<16xf32>
      %jit3A_571 = arith.constant 64 : i32
      %broadcast_in_dim3A_572 = vector.broadcast %jit3A_571 : i32 to vector<16xi32>
      %select_n3A_573 = arith.select %eq3A_570, %iota3A, %broadcast_in_dim3A_572 : vector<16xi1>, vector<16xi32>
      %eq3A_574 = arith.cmpf oeq, %select_n3A_541, %masked_cummax3A_569 : vector<16xf32>
      %add3A_575 = arith.constant 16 : i32
      %add3A_576 = vector.broadcast %add3A_575 : i32 to vector<16xi32>
      %add3A_577 = arith.addi %iota3A, %add3A_576 : vector<16xi32>
      %jit3A_578 = arith.constant 64 : i32
      %broadcast_in_dim3A_579 = vector.broadcast %jit3A_578 : i32 to vector<16xi32>
      %select_n3A_580 = arith.select %eq3A_574, %add3A_577, %broadcast_in_dim3A_579 : vector<16xi1>, vector<16xi32>
      %min3A_581 = arith.minsi %select_n3A_573, %select_n3A_580 : vector<16xi32>
      %eq3A_582 = arith.cmpf oeq, %select_n3A_548, %masked_cummax3A_569 : vector<16xf32>
      %add3A_583 = arith.constant 32 : i32
      %add3A_584 = vector.broadcast %add3A_583 : i32 to vector<16xi32>
      %add3A_585 = arith.addi %iota3A, %add3A_584 : vector<16xi32>
      %jit3A_586 = arith.constant 64 : i32
      %broadcast_in_dim3A_587 = vector.broadcast %jit3A_586 : i32 to vector<16xi32>
      %select_n3A_588 = arith.select %eq3A_582, %add3A_585, %broadcast_in_dim3A_587 : vector<16xi1>, vector<16xi32>
      %min3A_589 = arith.minsi %min3A_581, %select_n3A_588 : vector<16xi32>
      %eq3A_590 = arith.cmpf oeq, %select_n3A_555, %masked_cummax3A_569 : vector<16xf32>
      %add3A_591 = arith.constant 48 : i32
      %add3A_592 = vector.broadcast %add3A_591 : i32 to vector<16xi32>
      %add3A_593 = arith.addi %iota3A, %add3A_592 : vector<16xi32>
      %jit3A_594 = arith.constant 64 : i32
      %broadcast_in_dim3A_595 = vector.broadcast %jit3A_594 : i32 to vector<16xi32>
      %select_n3A_596 = arith.select %eq3A_590, %add3A_593, %broadcast_in_dim3A_595 : vector<16xi1>, vector<16xi32>
      %min3A_597 = arith.minsi %min3A_589, %select_n3A_596 : vector<16xi32>
      %neg3A_598 = arith.constant 0 : i32
      %neg3A_599 = vector.broadcast %neg3A_598 : i32 to vector<16xi32>
      %neg3A_600 = arith.subi %neg3A_599, %min3A_597 : vector<16xi32>
      %broadcast_in_dim3A_601 = arith.constant true
      %broadcast_in_dim3A_602 = vector.broadcast %broadcast_in_dim3A_601 : i1 to vector<16xi1>
      %masked_cummax3A_603 = arith.constant -2147483648 : i32
      %masked_cummax3A_604 = vector.broadcast %masked_cummax3A_603 : i32 to vector<16xi32>
      %masked_cummax3A_605 = arith.xori %neg3A_600, %masked_cummax3A_604 : vector<16xi32>
      %masked_cummax3A_606 = tpu.scan <max>, %masked_cummax3A_605 masked %broadcast_in_dim3A_602 : vector<16xi32>, vector<16xi1> -> vector<16xi32>
      %masked_cummax3A_607 = arith.xori %masked_cummax3A_606, %masked_cummax3A_604 : vector<16xi32>
      %rev3A_608 = arith.constant 15 : i32
      %rev3A_609 = vector.broadcast %rev3A_608 : i32 to vector<16xi32>
      %rev3A_610 = tpu.iota {dimensions = array<i32: 0>} : vector<16xi32>
      %rev3A_611 = arith.subi %rev3A_609, %rev3A_610 : vector<16xi32>
      %rev3A_612 = tpu.dynamic_gather %masked_cummax3A_607[%rev3A_611] in [0] : vector<16xi32>, vector<16xi32> -> vector<16xi32>
      %broadcast_in_dim3A_613 = arith.constant true
      %broadcast_in_dim3A_614 = vector.broadcast %broadcast_in_dim3A_613 : i1 to vector<16xi1>
      %masked_cummax3A_615 = arith.constant -2147483648 : i32
      %masked_cummax3A_616 = vector.broadcast %masked_cummax3A_615 : i32 to vector<16xi32>
      %masked_cummax3A_617 = arith.xori %rev3A_612, %masked_cummax3A_616 : vector<16xi32>
      %masked_cummax3A_618 = tpu.scan <max>, %masked_cummax3A_617 masked %broadcast_in_dim3A_614 : vector<16xi32>, vector<16xi1> -> vector<16xi32>
      %masked_cummax3A_619 = arith.xori %masked_cummax3A_618, %masked_cummax3A_616 : vector<16xi32>
      %neg3A_620 = arith.constant 0 : i32
      %neg3A_621 = vector.broadcast %neg3A_620 : i32 to vector<16xi32>
      %neg3A_622 = arith.subi %neg3A_621, %masked_cummax3A_619 : vector<16xi32>
      %eq3A_623 = arith.constant 5 : i32
      %eq3A_624 = vector.broadcast %eq3A_623 : i32 to vector<16xi32>
      %eq3A_625 = arith.cmpi eq, %iota3A, %eq3A_624 : vector<16xi32>
      %select_n3A_626 = arith.select %eq3A_625, %masked_cummax3A_569, %select_n3A_523 : vector<16xi1>, vector<16xf32>
      %eq3A_627 = arith.constant 5 : i32
      %eq3A_628 = vector.broadcast %eq3A_627 : i32 to vector<16xi32>
      %eq3A_629 = arith.cmpi eq, %iota3A, %eq3A_628 : vector<16xi32>
      %select_n3A_630 = arith.select %eq3A_629, %neg3A_622, %select_n3A_527 : vector<16xi1>, vector<16xi32>
      %add3A_631 = arith.constant 0 : i32
      %add3A_632 = vector.broadcast %add3A_631 : i32 to vector<16xi32>
      %add3A_633 = arith.addi %iota3A, %add3A_632 : vector<16xi32>
      %eq3A_634 = arith.cmpi eq, %add3A_633, %neg3A_622 : vector<16xi32>
      %jit3A_635 = arith.constant 0xFF800000 : f32
      %broadcast_in_dim3A_636 = vector.broadcast %jit3A_635 : f32 to vector<16xf32>
      %select_n3A_637 = arith.select %eq3A_634, %broadcast_in_dim3A_636, %select_n3A_534 : vector<16xi1>, vector<16xf32>
      %add3A_638 = arith.constant 16 : i32
      %add3A_639 = vector.broadcast %add3A_638 : i32 to vector<16xi32>
      %add3A_640 = arith.addi %iota3A, %add3A_639 : vector<16xi32>
      %eq3A_641 = arith.cmpi eq, %add3A_640, %neg3A_622 : vector<16xi32>
      %jit3A_642 = arith.constant 0xFF800000 : f32
      %broadcast_in_dim3A_643 = vector.broadcast %jit3A_642 : f32 to vector<16xf32>
      %select_n3A_644 = arith.select %eq3A_641, %broadcast_in_dim3A_643, %select_n3A_541 : vector<16xi1>, vector<16xf32>
      %add3A_645 = arith.constant 32 : i32
      %add3A_646 = vector.broadcast %add3A_645 : i32 to vector<16xi32>
      %add3A_647 = arith.addi %iota3A, %add3A_646 : vector<16xi32>
      %eq3A_648 = arith.cmpi eq, %add3A_647, %neg3A_622 : vector<16xi32>
      %jit3A_649 = arith.constant 0xFF800000 : f32
      %broadcast_in_dim3A_650 = vector.broadcast %jit3A_649 : f32 to vector<16xf32>
      %select_n3A_651 = arith.select %eq3A_648, %broadcast_in_dim3A_650, %select_n3A_548 : vector<16xi1>, vector<16xf32>
      %add3A_652 = arith.constant 48 : i32
      %add3A_653 = vector.broadcast %add3A_652 : i32 to vector<16xi32>
      %add3A_654 = arith.addi %iota3A, %add3A_653 : vector<16xi32>
      %eq3A_655 = arith.cmpi eq, %add3A_654, %neg3A_622 : vector<16xi32>
      %jit3A_656 = arith.constant 0xFF800000 : f32
      %broadcast_in_dim3A_657 = vector.broadcast %jit3A_656 : f32 to vector<16xf32>
      %select_n3A_658 = arith.select %eq3A_655, %broadcast_in_dim3A_657, %select_n3A_555 : vector<16xi1>, vector<16xf32>
      %max3A_659 = arith.maximumf %select_n3A_637, %select_n3A_644 : vector<16xf32>
      %max3A_660 = arith.maximumf %max3A_659, %select_n3A_651 : vector<16xf32>
      %max3A_661 = arith.maximumf %max3A_660, %select_n3A_658 : vector<16xf32>
      %broadcast_in_dim3A_662 = arith.constant true
      %broadcast_in_dim3A_663 = vector.broadcast %broadcast_in_dim3A_662 : i1 to vector<16xi1>
      %masked_cummax3A_664 = tpu.scan <max>, %max3A_661 masked %broadcast_in_dim3A_663 : vector<16xf32>, vector<16xi1> -> vector<16xf32>
      %rev3A_665 = arith.constant 15 : i32
      %rev3A_666 = vector.broadcast %rev3A_665 : i32 to vector<16xi32>
      %rev3A_667 = tpu.iota {dimensions = array<i32: 0>} : vector<16xi32>
      %rev3A_668 = arith.subi %rev3A_666, %rev3A_667 : vector<16xi32>
      %rev3A_669 = tpu.dynamic_gather %masked_cummax3A_664[%rev3A_668] in [0] : vector<16xf32>, vector<16xi32> -> vector<16xf32>
      %broadcast_in_dim3A_670 = arith.constant true
      %broadcast_in_dim3A_671 = vector.broadcast %broadcast_in_dim3A_670 : i1 to vector<16xi1>
      %masked_cummax3A_672 = tpu.scan <max>, %rev3A_669 masked %broadcast_in_dim3A_671 : vector<16xf32>, vector<16xi1> -> vector<16xf32>
      %eq3A_673 = arith.cmpf oeq, %select_n3A_637, %masked_cummax3A_672 : vector<16xf32>
      %jit3A_674 = arith.constant 64 : i32
      %broadcast_in_dim3A_675 = vector.broadcast %jit3A_674 : i32 to vector<16xi32>
      %select_n3A_676 = arith.select %eq3A_673, %iota3A, %broadcast_in_dim3A_675 : vector<16xi1>, vector<16xi32>
      %eq3A_677 = arith.cmpf oeq, %select_n3A_644, %masked_cummax3A_672 : vector<16xf32>
      %add3A_678 = arith.constant 16 : i32
      %add3A_679 = vector.broadcast %add3A_678 : i32 to vector<16xi32>
      %add3A_680 = arith.addi %iota3A, %add3A_679 : vector<16xi32>
      %jit3A_681 = arith.constant 64 : i32
      %broadcast_in_dim3A_682 = vector.broadcast %jit3A_681 : i32 to vector<16xi32>
      %select_n3A_683 = arith.select %eq3A_677, %add3A_680, %broadcast_in_dim3A_682 : vector<16xi1>, vector<16xi32>
      %min3A_684 = arith.minsi %select_n3A_676, %select_n3A_683 : vector<16xi32>
      %eq3A_685 = arith.cmpf oeq, %select_n3A_651, %masked_cummax3A_672 : vector<16xf32>
      %add3A_686 = arith.constant 32 : i32
      %add3A_687 = vector.broadcast %add3A_686 : i32 to vector<16xi32>
      %add3A_688 = arith.addi %iota3A, %add3A_687 : vector<16xi32>
      %jit3A_689 = arith.constant 64 : i32
      %broadcast_in_dim3A_690 = vector.broadcast %jit3A_689 : i32 to vector<16xi32>
      %select_n3A_691 = arith.select %eq3A_685, %add3A_688, %broadcast_in_dim3A_690 : vector<16xi1>, vector<16xi32>
      %min3A_692 = arith.minsi %min3A_684, %select_n3A_691 : vector<16xi32>
      %eq3A_693 = arith.cmpf oeq, %select_n3A_658, %masked_cummax3A_672 : vector<16xf32>
      %add3A_694 = arith.constant 48 : i32
      %add3A_695 = vector.broadcast %add3A_694 : i32 to vector<16xi32>
      %add3A_696 = arith.addi %iota3A, %add3A_695 : vector<16xi32>
      %jit3A_697 = arith.constant 64 : i32
      %broadcast_in_dim3A_698 = vector.broadcast %jit3A_697 : i32 to vector<16xi32>
      %select_n3A_699 = arith.select %eq3A_693, %add3A_696, %broadcast_in_dim3A_698 : vector<16xi1>, vector<16xi32>
      %min3A_700 = arith.minsi %min3A_692, %select_n3A_699 : vector<16xi32>
      %neg3A_701 = arith.constant 0 : i32
      %neg3A_702 = vector.broadcast %neg3A_701 : i32 to vector<16xi32>
      %neg3A_703 = arith.subi %neg3A_702, %min3A_700 : vector<16xi32>
      %broadcast_in_dim3A_704 = arith.constant true
      %broadcast_in_dim3A_705 = vector.broadcast %broadcast_in_dim3A_704 : i1 to vector<16xi1>
      %masked_cummax3A_706 = arith.constant -2147483648 : i32
      %masked_cummax3A_707 = vector.broadcast %masked_cummax3A_706 : i32 to vector<16xi32>
      %masked_cummax3A_708 = arith.xori %neg3A_703, %masked_cummax3A_707 : vector<16xi32>
      %masked_cummax3A_709 = tpu.scan <max>, %masked_cummax3A_708 masked %broadcast_in_dim3A_705 : vector<16xi32>, vector<16xi1> -> vector<16xi32>
      %masked_cummax3A_710 = arith.xori %masked_cummax3A_709, %masked_cummax3A_707 : vector<16xi32>
      %rev3A_711 = arith.constant 15 : i32
      %rev3A_712 = vector.broadcast %rev3A_711 : i32 to vector<16xi32>
      %rev3A_713 = tpu.iota {dimensions = array<i32: 0>} : vector<16xi32>
      %rev3A_714 = arith.subi %rev3A_712, %rev3A_713 : vector<16xi32>
      %rev3A_715 = tpu.dynamic_gather %masked_cummax3A_710[%rev3A_714] in [0] : vector<16xi32>, vector<16xi32> -> vector<16xi32>
      %broadcast_in_dim3A_716 = arith.constant true
      %broadcast_in_dim3A_717 = vector.broadcast %broadcast_in_dim3A_716 : i1 to vector<16xi1>
      %masked_cummax3A_718 = arith.constant -2147483648 : i32
      %masked_cummax3A_719 = vector.broadcast %masked_cummax3A_718 : i32 to vector<16xi32>
      %masked_cummax3A_720 = arith.xori %rev3A_715, %masked_cummax3A_719 : vector<16xi32>
      %masked_cummax3A_721 = tpu.scan <max>, %masked_cummax3A_720 masked %broadcast_in_dim3A_717 : vector<16xi32>, vector<16xi1> -> vector<16xi32>
      %masked_cummax3A_722 = arith.xori %masked_cummax3A_721, %masked_cummax3A_719 : vector<16xi32>
      %neg3A_723 = arith.constant 0 : i32
      %neg3A_724 = vector.broadcast %neg3A_723 : i32 to vector<16xi32>
      %neg3A_725 = arith.subi %neg3A_724, %masked_cummax3A_722 : vector<16xi32>
      %eq3A_726 = arith.constant 6 : i32
      %eq3A_727 = vector.broadcast %eq3A_726 : i32 to vector<16xi32>
      %eq3A_728 = arith.cmpi eq, %iota3A, %eq3A_727 : vector<16xi32>
      %select_n3A_729 = arith.select %eq3A_728, %masked_cummax3A_672, %select_n3A_626 : vector<16xi1>, vector<16xf32>
      %eq3A_730 = arith.constant 6 : i32
      %eq3A_731 = vector.broadcast %eq3A_730 : i32 to vector<16xi32>
      %eq3A_732 = arith.cmpi eq, %iota3A, %eq3A_731 : vector<16xi32>
      %select_n3A_733 = arith.select %eq3A_732, %neg3A_725, %select_n3A_630 : vector<16xi1>, vector<16xi32>
      %add3A_734 = arith.constant 0 : i32
      %add3A_735 = vector.broadcast %add3A_734 : i32 to vector<16xi32>
      %add3A_736 = arith.addi %iota3A, %add3A_735 : vector<16xi32>
      %eq3A_737 = arith.cmpi eq, %add3A_736, %neg3A_725 : vector<16xi32>
      %jit3A_738 = arith.constant 0xFF800000 : f32
      %broadcast_in_dim3A_739 = vector.broadcast %jit3A_738 : f32 to vector<16xf32>
      %select_n3A_740 = arith.select %eq3A_737, %broadcast_in_dim3A_739, %select_n3A_637 : vector<16xi1>, vector<16xf32>
      %add3A_741 = arith.constant 16 : i32
      %add3A_742 = vector.broadcast %add3A_741 : i32 to vector<16xi32>
      %add3A_743 = arith.addi %iota3A, %add3A_742 : vector<16xi32>
      %eq3A_744 = arith.cmpi eq, %add3A_743, %neg3A_725 : vector<16xi32>
      %jit3A_745 = arith.constant 0xFF800000 : f32
      %broadcast_in_dim3A_746 = vector.broadcast %jit3A_745 : f32 to vector<16xf32>
      %select_n3A_747 = arith.select %eq3A_744, %broadcast_in_dim3A_746, %select_n3A_644 : vector<16xi1>, vector<16xf32>
      %add3A_748 = arith.constant 32 : i32
      %add3A_749 = vector.broadcast %add3A_748 : i32 to vector<16xi32>
      %add3A_750 = arith.addi %iota3A, %add3A_749 : vector<16xi32>
      %eq3A_751 = arith.cmpi eq, %add3A_750, %neg3A_725 : vector<16xi32>
      %jit3A_752 = arith.constant 0xFF800000 : f32
      %broadcast_in_dim3A_753 = vector.broadcast %jit3A_752 : f32 to vector<16xf32>
      %select_n3A_754 = arith.select %eq3A_751, %broadcast_in_dim3A_753, %select_n3A_651 : vector<16xi1>, vector<16xf32>
      %add3A_755 = arith.constant 48 : i32
      %add3A_756 = vector.broadcast %add3A_755 : i32 to vector<16xi32>
      %add3A_757 = arith.addi %iota3A, %add3A_756 : vector<16xi32>
      %eq3A_758 = arith.cmpi eq, %add3A_757, %neg3A_725 : vector<16xi32>
      %jit3A_759 = arith.constant 0xFF800000 : f32
      %broadcast_in_dim3A_760 = vector.broadcast %jit3A_759 : f32 to vector<16xf32>
      %select_n3A_761 = arith.select %eq3A_758, %broadcast_in_dim3A_760, %select_n3A_658 : vector<16xi1>, vector<16xf32>
      %max3A_762 = arith.maximumf %select_n3A_740, %select_n3A_747 : vector<16xf32>
      %max3A_763 = arith.maximumf %max3A_762, %select_n3A_754 : vector<16xf32>
      %max3A_764 = arith.maximumf %max3A_763, %select_n3A_761 : vector<16xf32>
      %broadcast_in_dim3A_765 = arith.constant true
      %broadcast_in_dim3A_766 = vector.broadcast %broadcast_in_dim3A_765 : i1 to vector<16xi1>
      %masked_cummax3A_767 = tpu.scan <max>, %max3A_764 masked %broadcast_in_dim3A_766 : vector<16xf32>, vector<16xi1> -> vector<16xf32>
      %rev3A_768 = arith.constant 15 : i32
      %rev3A_769 = vector.broadcast %rev3A_768 : i32 to vector<16xi32>
      %rev3A_770 = tpu.iota {dimensions = array<i32: 0>} : vector<16xi32>
      %rev3A_771 = arith.subi %rev3A_769, %rev3A_770 : vector<16xi32>
      %rev3A_772 = tpu.dynamic_gather %masked_cummax3A_767[%rev3A_771] in [0] : vector<16xf32>, vector<16xi32> -> vector<16xf32>
      %broadcast_in_dim3A_773 = arith.constant true
      %broadcast_in_dim3A_774 = vector.broadcast %broadcast_in_dim3A_773 : i1 to vector<16xi1>
      %masked_cummax3A_775 = tpu.scan <max>, %rev3A_772 masked %broadcast_in_dim3A_774 : vector<16xf32>, vector<16xi1> -> vector<16xf32>
      %eq3A_776 = arith.cmpf oeq, %select_n3A_740, %masked_cummax3A_775 : vector<16xf32>
      %jit3A_777 = arith.constant 64 : i32
      %broadcast_in_dim3A_778 = vector.broadcast %jit3A_777 : i32 to vector<16xi32>
      %select_n3A_779 = arith.select %eq3A_776, %iota3A, %broadcast_in_dim3A_778 : vector<16xi1>, vector<16xi32>
      %eq3A_780 = arith.cmpf oeq, %select_n3A_747, %masked_cummax3A_775 : vector<16xf32>
      %add3A_781 = arith.constant 16 : i32
      %add3A_782 = vector.broadcast %add3A_781 : i32 to vector<16xi32>
      %add3A_783 = arith.addi %iota3A, %add3A_782 : vector<16xi32>
      %jit3A_784 = arith.constant 64 : i32
      %broadcast_in_dim3A_785 = vector.broadcast %jit3A_784 : i32 to vector<16xi32>
      %select_n3A_786 = arith.select %eq3A_780, %add3A_783, %broadcast_in_dim3A_785 : vector<16xi1>, vector<16xi32>
      %min3A_787 = arith.minsi %select_n3A_779, %select_n3A_786 : vector<16xi32>
      %eq3A_788 = arith.cmpf oeq, %select_n3A_754, %masked_cummax3A_775 : vector<16xf32>
      %add3A_789 = arith.constant 32 : i32
      %add3A_790 = vector.broadcast %add3A_789 : i32 to vector<16xi32>
      %add3A_791 = arith.addi %iota3A, %add3A_790 : vector<16xi32>
      %jit3A_792 = arith.constant 64 : i32
      %broadcast_in_dim3A_793 = vector.broadcast %jit3A_792 : i32 to vector<16xi32>
      %select_n3A_794 = arith.select %eq3A_788, %add3A_791, %broadcast_in_dim3A_793 : vector<16xi1>, vector<16xi32>
      %min3A_795 = arith.minsi %min3A_787, %select_n3A_794 : vector<16xi32>
      %eq3A_796 = arith.cmpf oeq, %select_n3A_761, %masked_cummax3A_775 : vector<16xf32>
      %add3A_797 = arith.constant 48 : i32
      %add3A_798 = vector.broadcast %add3A_797 : i32 to vector<16xi32>
      %add3A_799 = arith.addi %iota3A, %add3A_798 : vector<16xi32>
      %jit3A_800 = arith.constant 64 : i32
      %broadcast_in_dim3A_801 = vector.broadcast %jit3A_800 : i32 to vector<16xi32>
      %select_n3A_802 = arith.select %eq3A_796, %add3A_799, %broadcast_in_dim3A_801 : vector<16xi1>, vector<16xi32>
      %min3A_803 = arith.minsi %min3A_795, %select_n3A_802 : vector<16xi32>
      %neg3A_804 = arith.constant 0 : i32
      %neg3A_805 = vector.broadcast %neg3A_804 : i32 to vector<16xi32>
      %neg3A_806 = arith.subi %neg3A_805, %min3A_803 : vector<16xi32>
      %broadcast_in_dim3A_807 = arith.constant true
      %broadcast_in_dim3A_808 = vector.broadcast %broadcast_in_dim3A_807 : i1 to vector<16xi1>
      %masked_cummax3A_809 = arith.constant -2147483648 : i32
      %masked_cummax3A_810 = vector.broadcast %masked_cummax3A_809 : i32 to vector<16xi32>
      %masked_cummax3A_811 = arith.xori %neg3A_806, %masked_cummax3A_810 : vector<16xi32>
      %masked_cummax3A_812 = tpu.scan <max>, %masked_cummax3A_811 masked %broadcast_in_dim3A_808 : vector<16xi32>, vector<16xi1> -> vector<16xi32>
      %masked_cummax3A_813 = arith.xori %masked_cummax3A_812, %masked_cummax3A_810 : vector<16xi32>
      %rev3A_814 = arith.constant 15 : i32
      %rev3A_815 = vector.broadcast %rev3A_814 : i32 to vector<16xi32>
      %rev3A_816 = tpu.iota {dimensions = array<i32: 0>} : vector<16xi32>
      %rev3A_817 = arith.subi %rev3A_815, %rev3A_816 : vector<16xi32>
      %rev3A_818 = tpu.dynamic_gather %masked_cummax3A_813[%rev3A_817] in [0] : vector<16xi32>, vector<16xi32> -> vector<16xi32>
      %broadcast_in_dim3A_819 = arith.constant true
      %broadcast_in_dim3A_820 = vector.broadcast %broadcast_in_dim3A_819 : i1 to vector<16xi1>
      %masked_cummax3A_821 = arith.constant -2147483648 : i32
      %masked_cummax3A_822 = vector.broadcast %masked_cummax3A_821 : i32 to vector<16xi32>
      %masked_cummax3A_823 = arith.xori %rev3A_818, %masked_cummax3A_822 : vector<16xi32>
      %masked_cummax3A_824 = tpu.scan <max>, %masked_cummax3A_823 masked %broadcast_in_dim3A_820 : vector<16xi32>, vector<16xi1> -> vector<16xi32>
      %masked_cummax3A_825 = arith.xori %masked_cummax3A_824, %masked_cummax3A_822 : vector<16xi32>
      %neg3A_826 = arith.constant 0 : i32
      %neg3A_827 = vector.broadcast %neg3A_826 : i32 to vector<16xi32>
      %neg3A_828 = arith.subi %neg3A_827, %masked_cummax3A_825 : vector<16xi32>
      %eq3A_829 = arith.constant 7 : i32
      %eq3A_830 = vector.broadcast %eq3A_829 : i32 to vector<16xi32>
      %eq3A_831 = arith.cmpi eq, %iota3A, %eq3A_830 : vector<16xi32>
      %select_n3A_832 = arith.select %eq3A_831, %masked_cummax3A_775, %select_n3A_729 : vector<16xi1>, vector<16xf32>
      %eq3A_833 = arith.constant 7 : i32
      %eq3A_834 = vector.broadcast %eq3A_833 : i32 to vector<16xi32>
      %eq3A_835 = arith.cmpi eq, %iota3A, %eq3A_834 : vector<16xi32>
      %select_n3A_836 = arith.select %eq3A_835, %neg3A_828, %select_n3A_733 : vector<16xi1>, vector<16xi32>
      %add3A_837 = arith.constant 0 : i32
      %add3A_838 = vector.broadcast %add3A_837 : i32 to vector<16xi32>
      %add3A_839 = arith.addi %iota3A, %add3A_838 : vector<16xi32>
      %eq3A_840 = arith.cmpi eq, %add3A_839, %neg3A_828 : vector<16xi32>
      %jit3A_841 = arith.constant 0xFF800000 : f32
      %broadcast_in_dim3A_842 = vector.broadcast %jit3A_841 : f32 to vector<16xf32>
      %select_n3A_843 = arith.select %eq3A_840, %broadcast_in_dim3A_842, %select_n3A_740 : vector<16xi1>, vector<16xf32>
      %add3A_844 = arith.constant 16 : i32
      %add3A_845 = vector.broadcast %add3A_844 : i32 to vector<16xi32>
      %add3A_846 = arith.addi %iota3A, %add3A_845 : vector<16xi32>
      %eq3A_847 = arith.cmpi eq, %add3A_846, %neg3A_828 : vector<16xi32>
      %jit3A_848 = arith.constant 0xFF800000 : f32
      %broadcast_in_dim3A_849 = vector.broadcast %jit3A_848 : f32 to vector<16xf32>
      %select_n3A_850 = arith.select %eq3A_847, %broadcast_in_dim3A_849, %select_n3A_747 : vector<16xi1>, vector<16xf32>
      %add3A_851 = arith.constant 32 : i32
      %add3A_852 = vector.broadcast %add3A_851 : i32 to vector<16xi32>
      %add3A_853 = arith.addi %iota3A, %add3A_852 : vector<16xi32>
      %eq3A_854 = arith.cmpi eq, %add3A_853, %neg3A_828 : vector<16xi32>
      %jit3A_855 = arith.constant 0xFF800000 : f32
      %broadcast_in_dim3A_856 = vector.broadcast %jit3A_855 : f32 to vector<16xf32>
      %select_n3A_857 = arith.select %eq3A_854, %broadcast_in_dim3A_856, %select_n3A_754 : vector<16xi1>, vector<16xf32>
      %add3A_858 = arith.constant 48 : i32
      %add3A_859 = vector.broadcast %add3A_858 : i32 to vector<16xi32>
      %add3A_860 = arith.addi %iota3A, %add3A_859 : vector<16xi32>
      %eq3A_861 = arith.cmpi eq, %add3A_860, %neg3A_828 : vector<16xi32>
      %jit3A_862 = arith.constant 0xFF800000 : f32
      %broadcast_in_dim3A_863 = vector.broadcast %jit3A_862 : f32 to vector<16xf32>
      %select_n3A_864 = arith.select %eq3A_861, %broadcast_in_dim3A_863, %select_n3A_761 : vector<16xi1>, vector<16xf32>
      %swap3A = arith.constant 0 : index
      %swap3A_865 = tpu.vector_load %arg6[%swap3A] {strides = array<i32>} : memref<16xf32, #tpu.memory_space<vmem>>, vector<16xf32>,
      tpu.vector_store %arg6[%swap3A], %select_n3A_832 {strides = array<i32>} : memref<16xf32, #tpu.memory_space<vmem>>, vector<16xf32>,
      %swap3A_866 = arith.constant 0 : index
      %swap3A_867 = tpu.vector_load %arg7[%swap3A_866] {strides = array<i32>} : memref<16xi32, #tpu.memory_space<vmem>>, vector<16xi32>,
      tpu.vector_store %arg7[%swap3A_866], %select_n3A_836 {strides = array<i32>} : memref<16xi32, #tpu.memory_space<vmem>>, vector<16xi32>,
      "tpu.region"() ({
        %run_scoped3A = tpu.sem_alloc : memref<!tpu.dma_semaphore, #tpu.memory_space<semaphore_mem>>
        %dma_start3A = arith.constant 0 : i32
        %dma_start3A_868 = tpu.memref_slice %arg3[%add3A, %dma_start3A] : memref<4x16xf32, #tpu.memory_space<hbm>> -> memref<1x16xf32, #tpu.memory_space<hbm>>
        %dma_start3A_869 = tpu.memref_squeeze %dma_start3A_868 : memref<1x16xf32, #tpu.memory_space<hbm>> -> memref<16xf32, #tpu.memory_space<hbm>>
        %dma_start3A_870 = arith.constant 0 : i32
        %dma_start3A_871 = tpu.memref_slice %arg3[%add3A, %dma_start3A_870] : memref<4x16xf32, #tpu.memory_space<hbm>> -> memref<1x16xf32, #tpu.memory_space<hbm>>
        %dma_start3A_872 = tpu.memref_squeeze %dma_start3A_871 : memref<1x16xf32, #tpu.memory_space<hbm>> -> memref<16xf32, #tpu.memory_space<hbm>>
        tpu.enqueue_dma source(%arg6 : memref<16xf32, #tpu.memory_space<vmem>>) target(%dma_start3A_872 : memref<16xf32, #tpu.memory_space<hbm>>) target_semaphore(%run_scoped3A : memref<!tpu.dma_semaphore, #tpu.memory_space<semaphore_mem>>)
        %dma_wait3A = arith.constant 0 : i32
        %dma_wait3A_873 = tpu.memref_slice %arg3[%add3A, %dma_wait3A] : memref<4x16xf32, #tpu.memory_space<hbm>> -> memref<1x16xf32, #tpu.memory_space<hbm>>
        %dma_wait3A_874 = tpu.memref_squeeze %dma_wait3A_873 : memref<1x16xf32, #tpu.memory_space<hbm>> -> memref<16xf32, #tpu.memory_space<hbm>>
        %dma_wait3A_875 = arith.constant 0 : i32
        %dma_wait3A_876 = tpu.memref_slice %arg3[%add3A, %dma_wait3A_875] : memref<4x16xf32, #tpu.memory_space<hbm>> -> memref<1x16xf32, #tpu.memory_space<hbm>>
        %dma_wait3A_877 = tpu.memref_squeeze %dma_wait3A_876 : memref<1x16xf32, #tpu.memory_space<hbm>> -> memref<16xf32, #tpu.memory_space<hbm>>
        tpu.wait_dma2 semaphore(%run_scoped3A : memref<!tpu.dma_semaphore, #tpu.memory_space<semaphore_mem>>) src(%arg6 : memref<16xf32, #tpu.memory_space<vmem>>) dst(%dma_wait3A_877 : memref<16xf32, #tpu.memory_space<hbm>>)
        tpu.yield
      }) : () -> ()
      "tpu.region"() ({
        %run_scoped3A = tpu.sem_alloc : memref<!tpu.dma_semaphore, #tpu.memory_space<semaphore_mem>>
        %dma_start3A = arith.constant 0 : i32
        %dma_start3A_868 = tpu.memref_slice %arg4[%add3A, %dma_start3A] : memref<4x16xi32, #tpu.memory_space<hbm>> -> memref<1x16xi32, #tpu.memory_space<hbm>>
        %dma_start3A_869 = tpu.memref_squeeze %dma_start3A_868 : memref<1x16xi32, #tpu.memory_space<hbm>> -> memref<16xi32, #tpu.memory_space<hbm>>
        %dma_start3A_870 = arith.constant 0 : i32
        %dma_start3A_871 = tpu.memref_slice %arg4[%add3A, %dma_start3A_870] : memref<4x16xi32, #tpu.memory_space<hbm>> -> memref<1x16xi32, #tpu.memory_space<hbm>>
        %dma_start3A_872 = tpu.memref_squeeze %dma_start3A_871 : memref<1x16xi32, #tpu.memory_space<hbm>> -> memref<16xi32, #tpu.memory_space<hbm>>
        tpu.enqueue_dma source(%arg7 : memref<16xi32, #tpu.memory_space<vmem>>) target(%dma_start3A_872 : memref<16xi32, #tpu.memory_space<hbm>>) target_semaphore(%run_scoped3A : memref<!tpu.dma_semaphore, #tpu.memory_space<semaphore_mem>>)
        %dma_wait3A = arith.constant 0 : i32
        %dma_wait3A_873 = tpu.memref_slice %arg4[%add3A, %dma_wait3A] : memref<4x16xi32, #tpu.memory_space<hbm>> -> memref<1x16xi32, #tpu.memory_space<hbm>>
        %dma_wait3A_874 = tpu.memref_squeeze %dma_wait3A_873 : memref<1x16xi32, #tpu.memory_space<hbm>> -> memref<16xi32, #tpu.memory_space<hbm>>
        %dma_wait3A_875 = arith.constant 0 : i32
        %dma_wait3A_876 = tpu.memref_slice %arg4[%add3A, %dma_wait3A_875] : memref<4x16xi32, #tpu.memory_space<hbm>> -> memref<1x16xi32, #tpu.memory_space<hbm>>
        %dma_wait3A_877 = tpu.memref_squeeze %dma_wait3A_876 : memref<1x16xi32, #tpu.memory_space<hbm>> -> memref<16xi32, #tpu.memory_space<hbm>>
        tpu.wait_dma2 semaphore(%run_scoped3A : memref<!tpu.dma_semaphore, #tpu.memory_space<semaphore_mem>>) src(%arg7 : memref<16xi32, #tpu.memory_space<vmem>>) dst(%dma_wait3A_877 : memref<16xi32, #tpu.memory_space<hbm>>)
        tpu.yield
      }) : () -> ()
    } else {
    }
    return
  }
}

module attributes {stable_mosaic.version = 14 : i64} {
  func.func @_router_scores_kernel(%arg0: i32, %arg1: i32, %arg2: memref<1x512x4096xf32, #tpu.memory_space<vmem>>, %arg3: memref<4096x64xbf16, #tpu.memory_space<vmem>>, %arg4: memref<1x64xf32, #tpu.memory_space<vmem>>, %arg5: memref<4x64xf32, #tpu.memory_space<vmem>>, %arg6: memref<4x4096xf32, #tpu.memory_space<vmem>>) attributes {dimension_semantics = [#tpu.dimension_semantics<arbitrary>, #tpu.dimension_semantics<arbitrary>], iteration_bounds = array<i64: 4, 4>, scalar_prefetch = 0 : i64, scratch_operands = 1 : i64, tpu.core_type = #tpu.core_type<tc>, window_params = [{transform_indices = @transform_0, window_bounds = array<i64: 1, 512, 4096>}, {pipeline_mode = #tpu.pipeline_mode<synchronous>, transform_indices = @transform_1, window_bounds = array<i64: 4096, 64>}, {pipeline_mode = #tpu.pipeline_mode<synchronous>, transform_indices = @transform_2, window_bounds = array<i64: 1, 64>}, {pipeline_mode = #tpu.pipeline_mode<synchronous>, transform_indices = @transform_3, window_bounds = array<i64: 4, 64>}]} {
    %eq3A = arith.constant 0 : i32
    %eq3A_0 = arith.cmpi eq, %arg0, %eq3A : i32
    %eq3A_1 = arith.constant 0 : i32
    %eq3A_2 = arith.cmpi eq, %arg1, %eq3A_1 : i32
    %and3A = arith.andi %eq3A_0, %eq3A_2 : i1
    %convert_element_type3A = arith.extui %and3A : i1 to i32
    %cond3A = arith.constant 0 : i32
    %cond3A_3 = arith.cmpi ne, %convert_element_type3A, %cond3A : i32
    scf.if %cond3A_3 {
      %broadcast_in_dim3A_23 = arith.constant 0.000000e+00 : f32
      %broadcast_in_dim3A_24 = vector.broadcast %broadcast_in_dim3A_23 : f32 to vector<4x4096xf32>
      %swap3A_25 = arith.constant 0 : index
      %swap3A_26 = arith.constant 0 : index
      %swap3A_27 = vector.load %arg6[%swap3A_25, %swap3A_26] : memref<4x4096xf32, #tpu.memory_space<vmem>>, vector<4x4096xf32>
      tpu.vector_store %arg6[%swap3A_25, %swap3A_26], %broadcast_in_dim3A_24 {strides = array<i32>} : memref<4x4096xf32, #tpu.memory_space<vmem>>, vector<4x4096xf32>,
    } else {
    }
    %broadcast_in_dim3A = arith.constant 1.000000e+00 : f32
    %broadcast_in_dim3A_4 = vector.broadcast %broadcast_in_dim3A : f32 to vector<1x512xf32>
    %get3A = arith.constant 0 : index
    %get3A_5 = arith.constant 0 : index
    %get3A_6 = arith.constant 0 : index
    %get3A_7 = vector.load %arg2[%get3A, %get3A_5, %get3A_6] : memref<1x512x4096xf32, #tpu.memory_space<vmem>>, vector<1x512x4096xf32>
    %get3A_8 = vector.shape_cast %get3A_7 : vector<1x512x4096xf32> to vector<512x4096xf32>
    %dot_general3A = arith.constant dense<0.000000e+00> : vector<1x4096xf32>
    %dot_general3A_9 = tpu.matmul %broadcast_in_dim3A_4, %get3A_8, %dot_general3A {dimension_numbers = #tpu.dot_dimension_numbers<[1], [0], [0], [1], [0, 0, 1, 1], [], []>, transpose_lhs_hint = false} : vector<1x512xf32>, vector<512x4096xf32>, vector<1x4096xf32> -> vector<1x4096xf32>
    %get3A_10 = arith.index_cast %arg0 : i32 to index
    %get3A_11 = arith.constant 0 : index
    %get3A_12 = vector.load %arg6[%get3A_10, %get3A_11] : memref<4x4096xf32, #tpu.memory_space<vmem>>, vector<1x4096xf32>
    %add3A = arith.addf %get3A_12, %dot_general3A_9 : vector<1x4096xf32>
    %swap3A = arith.index_cast %arg0 : i32 to index
    %swap3A_13 = arith.constant 0 : index
    %swap3A_14 = vector.load %arg6[%swap3A, %swap3A_13] : memref<4x4096xf32, #tpu.memory_space<vmem>>, vector<1x4096xf32>
    tpu.vector_store %arg6[%swap3A, %swap3A_13], %add3A {strides = array<i32>} : memref<4x4096xf32, #tpu.memory_space<vmem>>, vector<1x4096xf32>,
    %eq3A_15 = arith.constant 3 : i32
    %eq3A_16 = arith.cmpi eq, %arg0, %eq3A_15 : i32
    %eq3A_17 = arith.constant 3 : i32
    %eq3A_18 = arith.cmpi eq, %arg1, %eq3A_17 : i32
    %and3A_19 = arith.andi %eq3A_16, %eq3A_18 : i1
    %convert_element_type3A_20 = arith.extui %and3A_19 : i1 to i32
    %cond3A_21 = arith.constant 0 : i32
    %cond3A_22 = arith.cmpi ne, %convert_element_type3A_20, %cond3A_21 : i32
    scf.if %cond3A_22 {
      %get3A_23 = arith.constant 0 : index
      %get3A_24 = arith.constant 0 : index
      %get3A_25 = vector.load %arg6[%get3A_23, %get3A_24] : memref<4x4096xf32, #tpu.memory_space<vmem>>, vector<4x4096xf32>
      %convert_element_type3A_26 = arith.truncf %get3A_25 : vector<4x4096xf32> to vector<4x4096xbf16>
      %convert_element_type3A_27 = arith.extf %convert_element_type3A_26 : vector<4x4096xbf16> to vector<4x4096xf32>
      %sub3A = arith.subf %get3A_25, %convert_element_type3A_27 : vector<4x4096xf32>
      %convert_element_type3A_28 = arith.truncf %sub3A : vector<4x4096xf32> to vector<4x4096xbf16>
      %concatenate3A = tpu.concatenate %convert_element_type3A_26, %convert_element_type3A_28 in 0 : vector<4x4096xbf16>, vector<4x4096xbf16> -> vector<8x4096xbf16>
      %get3A_29 = arith.constant 0 : index
      %get3A_30 = arith.constant 0 : index
      %get3A_31 = vector.load %arg3[%get3A_29, %get3A_30] : memref<4096x64xbf16, #tpu.memory_space<vmem>>, vector<4096x64xbf16>
      %dot_general3A_32 = arith.constant dense<0.000000e+00> : vector<8x64xf32>
      %dot_general3A_33 = tpu.matmul %concatenate3A, %get3A_31, %dot_general3A_32 {dimension_numbers = #tpu.dot_dimension_numbers<[1], [0], [0], [1], [0, 0, 1, 1], [], []>, transpose_lhs_hint = false} : vector<8x4096xbf16>, vector<4096x64xbf16>, vector<8x64xf32> -> vector<8x64xf32>
      %slice3A = vector.extract_strided_slice %dot_general3A_33 {offsets = [0, 0], sizes = [4, 64], strides = [1, 1]} : vector<8x64xf32> to vector<4x64xf32>
      %slice3A_34 = vector.extract_strided_slice %dot_general3A_33 {offsets = [4, 0], sizes = [4, 64], strides = [1, 1]} : vector<8x64xf32> to vector<4x64xf32>
      %add3A_35 = arith.addf %slice3A, %slice3A_34 : vector<4x64xf32>
      %mul3A = arith.constant 4.8828125E-4 : f32
      %mul3A_36 = vector.broadcast %mul3A : f32 to vector<4x64xf32>
      %mul3A_37 = arith.mulf %add3A_35, %mul3A_36 : vector<4x64xf32>
      %get3A_38 = arith.constant 0 : index
      %get3A_39 = arith.constant 0 : index
      %get3A_40 = vector.load %arg4[%get3A_38, %get3A_39] : memref<1x64xf32, #tpu.memory_space<vmem>>, vector<1x64xf32>
      %add3A_41 = vector.broadcast %get3A_40 : vector<1x64xf32> to vector<4x64xf32>
      %add3A_42 = arith.addf %mul3A_37, %add3A_41 : vector<4x64xf32>
      %swap3A_43 = arith.constant 0 : index
      %swap3A_44 = arith.constant 0 : index
      %swap3A_45 = vector.load %arg5[%swap3A_43, %swap3A_44] : memref<4x64xf32, #tpu.memory_space<vmem>>, vector<4x64xf32>
      tpu.vector_store %arg5[%swap3A_43, %swap3A_44], %add3A_42 {strides = array<i32>} : memref<4x64xf32, #tpu.memory_space<vmem>>, vector<4x64xf32>,
    } else {
    }
    return
  }
  func.func @transform_0(%arg0: i32, %arg1: i32) -> (i32, i32, i32) {
    %c0_i32 = arith.constant 0 : i32
    %c0_i32_0 = arith.constant 0 : i32
    return %arg0, %arg1, %c0_i32 : i32, i32, i32
  }
  func.func @transform_1(%arg0: i32, %arg1: i32) -> (i32, i32) {
    %c0_i32 = arith.constant 0 : i32
    %c0_i32_0 = arith.constant 0 : i32
    %c0_i32_1 = arith.constant 0 : i32
    return %c0_i32, %c0_i32_0 : i32, i32
  }
  func.func @transform_2(%arg0: i32, %arg1: i32) -> (i32, i32) {
    %c0_i32 = arith.constant 0 : i32
    %c0_i32_0 = arith.constant 0 : i32
    %c0_i32_1 = arith.constant 0 : i32
    return %c0_i32, %c0_i32_0 : i32, i32
  }
  func.func @transform_3(%arg0: i32, %arg1: i32) -> (i32, i32) {
    %c0_i32 = arith.constant 0 : i32
    %c0_i32_0 = arith.constant 0 : i32
    %c0_i32_1 = arith.constant 0 : i32
    return %c0_i32, %c0_i32_0 : i32, i32
  }
}

</mosaic_0001>

<sc_bundles>
// kernel: kernel.4.cloned.1.call-start
scs
__scs_entry_jumppad:
0x0: {  	(pc) =	sbr.rel $0x88, $3  }
0x1: {  	(tag) =	ssettag $0x0;
	lr =	simm.s32 $0x1  }
0x2: {  	[smem:$0x3F9E] =	sst lr;
	_ =	strace $0xD0000000  }
0x3: {  	_ = 	snop  }
0x4: {  	_ = 	snop  }
0x5: {  	_ = 	snop  }
0x6: {  	_ = 	snop  }
0x7: {  	_ = 	snop  }
__scs_overlays_trampoline_lowered:
0x8: {  	[smem:$0x3FAD] =	sst s0  }
0x9: {  	[smem:$0x3FAE] =	sst s1  }
0xa: {  	[smem:$0x3FAF] =	sst s2  }
0xb: {  	[smem:$0x3FB0] =	sst s3  }
0xc: {  	[smem:$0x3FB1] =	sst s4  }
0xd: {  	[smem:$0x3FB2] =	sst s5  }
0xe: {  	[smem:$0x3FB3] =	sst s6  }
0xf: {  	[smem:$0x3FB4] =	sst s7  }
0x10: {  	[smem:$0x3FB5] =	sst s8  }
0x11: {  	[smem:$0x3FB6] =	sst s9;
	s0 =	simm.s32 @!p0 $0x0  }
0x12: {  	s1 =	sld [smem:$0x3F9C];
	s0 =	simm.s32 @p0 $0x1  }
0x13: {  	[smem:$0x3FB7] =	sst s0;
	s0 =	simm.s32 @!p1 $0x0  }
0x14: {  	s2 =	sld [smem:$0x3F9B];
	s0 =	simm.s32 @p1 $0x1  }
0x15: {  	[smem:$0x3FB8] =	sst s0;
	s0 =	simm.s32 @!p2 $0x0  }
0x16: {  	s3 =	sld [smem:$0x3FDB];
	s0 =	simm.s32 @p2 $0x1  }
0x17: {  	s4 =	simm.s32 $0x1BF5;
	[smem:$0x3FBA] =	sst s0  }
0x18: {  	s0 =	sld [smem:$0x3F9D];
	_ =	swait.ge [sflag:s4], $0x0  }
0x19: {  	s7 =	sld [smem:$0x3F9E]  }
0x1a: {  	s8 =	sadd.s32 $0xFFFFE003, lr  }
0x1b: {  	s9 =	sadd.s32 $0xFFFFFEF7, lr;
	s5 =	simm.s32 $0xFFFFFFFF;
	p2 =	slt.u32 s8, $0xFFFFF086  }
0x1c: {  	p1 =	slt.u32 s9, $0xF7A;
	s5 =	simm.s32 @!p2 $0x0  }
0x1d: {  	s5 =	simm.s32 @p1 $0x1;
	p0 =	seq.s32 s7, s2  }
0x1e: {  	s7 =	smul.u32 @!p0 $0xF7A, s2;
	p2 =	seq.s32 @!p0 s5, $0x0  }
0x1f: {  	s9 =	smul.u32 $0xF7A, s1;
	s8 =	simm.s32 @!p0 $0x1BF5;
	p2 =	por !p2, p0  }
0x20: {  	[sflag:s8] =	ssyncset.s32 @!p0 $0xFFFFF086;
	s6 =	sadd.s32 @!p0 s3, s7;
	s7 =	simm.s32 @!p0 $0x108  }
0x21: {  	s3 =	sadd.s32 s3, s9;
	s6 =	sadd.s32 @!p0 $0x88, s6;
	s7 =	simm.s32 @p2 $0x1082  }
0x22: {  	[simem:s7], [sflag:s8] =	dma.local @!p0 [hbm:s6], $0xF7A  }
0x23: {  	s9 =	sor.u32 $0xD0000000, s2;
	s6 =	simm.s32 $0x108;
	_ =	swait.ge @!p0 [sflag:s8], $0x0  }
0x24: {  	s3 =	sadd.s32 $0x88, s3;
	s6 =	simm.s32 @!p1 $0x1082;
	[sflag:s4] =	ssyncset.s32 $0xFFFFF086  }
0x25: {  	[simem:s6], [sflag:s4] =	dma.local [hbm:s3], $0xF7A  }
0x26: {  	[smem:$0x3F9E] =	sst s1;
	(tag) =	ssettag s2;
	_ =	strace s9  }
0x27: {  	s1 =	sld [smem:$0x3FAE]  }
0x28: {  	s2 =	sld [smem:$0x3FAF]  }
0x29: {  	s4 =	sld [smem:$0x3FB1]  }
0x2a: {  	p0 =	seq.s32 s5, $0x0;
	s5 =	sld [smem:$0x3FB2]  }
0x2b: {  	s6 =	sld [smem:$0x3FB3]  }
0x2c: {  	s7 =	sld [smem:$0x3FB4]  }
0x2d: {  	s3 =	simm.s32 $0x108;
	s8 =	sld [smem:$0x3FB5]  }
0x2e: {  	s3 =	simm.s32 @!p0 $0x1082;
	s9 =	sld [smem:$0x3FB6]  }
0x2f: {  	lr =	sadd.s32 s0, s3;
	s0 =	sld [smem:$0x3FAD]  }
0x30: {  	s3 =	sld [smem:$0x3FB0]  }
0x31: {  	[smem:$0x3FB9] =	sst s10  }
0x32: {  	s10 =	sld [smem:$0x3FB7];
	_ =	sdelay $0x3  }
0x33: {  	p0 =	seq.s32 s10, $0x1;
	s10 =	sld [smem:$0x3FB9];
	_ =	sdelay $0x3  }
0x34: {  	[smem:$0x3FB9] =	sst s10  }
0x35: {  	s10 =	sld [smem:$0x3FB8];
	_ =	sdelay $0x3  }
0x36: {  	p1 =	seq.s32 s10, $0x1;
	s10 =	sld [smem:$0x3FB9];
	_ =	sdelay $0x3  }
0x37: {  	[smem:$0x3FB9] =	sst s10  }
0x38: {  	s10 =	sld [smem:$0x3FBA]  }
0x39: {  	_ = 	snop;
	(pc) =	sbr.ind lr, $3  }
0x3a: {  	_ = 	snop  }
0x3b: {  	_ = 	snop  }
0x3c: {  	p2 =	seq.s32 s10, $0x1;
	s10 =	sld [smem:$0x3FB9]  }
0x3d: {  	_ =	shalt  }
0x3e: {  	_ =	shalt  }
0x3f: {  	_ =	shalt  }
0x40: {  	_ =	shalt  }
0x41: {  	_ =	shalt  }
0x42: {  	_ =	shalt  }
0x43: {  	_ =	shalt  }
0x44: {  	_ =	shalt  }
0x45: {  	_ =	shalt  }
0x46: {  	_ =	shalt  }
0x47: {  	_ =	shalt  }
0x48: {  	_ =	shalt  }
0x49: {  	_ =	shalt  }
0x4a: {  	_ =	shalt  }
0x4b: {  	_ =	shalt  }
0x4c: {  	_ =	shalt  }
0x4d: {  	_ =	shalt  }
0x4e: {  	_ =	shalt  }
0x4f: {  	_ =	shalt  }
0x50: {  	_ =	shalt  }
0x51: {  	_ =	shalt  }
0x52: {  	_ =	shalt  }
0x53: {  	_ =	shalt  }
0x54: {  	_ =	shalt  }
0x55: {  	_ =	shalt  }
0x56: {  	_ =	shalt  }
0x57: {  	_ =	shalt  }
0x58: {  	_ =	shalt  }
0x59: {  	_ =	shalt  }
0x5a: {  	_ =	shalt  }
0x5b: {  	_ =	shalt  }
0x5c: {  	_ =	shalt  }
0x5d: {  	_ =	shalt  }
0x5e: {  	_ =	shalt  }
0x5f: {  	_ =	shalt  }
0x60: {  	_ =	shalt  }
0x61: {  	_ =	shalt  }
0x62: {  	_ =	shalt  }
0x63: {  	_ =	shalt  }
0x64: {  	_ =	shalt  }
0x65: {  	_ =	shalt  }
0x66: {  	_ =	shalt  }
0x67: {  	_ =	shalt  }
0x68: {  	_ =	shalt  }
0x69: {  	_ =	shalt  }
0x6a: {  	_ =	shalt  }
0x6b: {  	_ =	shalt  }
0x6c: {  	_ =	shalt  }
0x6d: {  	_ =	shalt  }
0x6e: {  	_ =	shalt  }
0x6f: {  	_ =	shalt  }
0x70: {  	_ =	shalt  }
0x71: {  	_ =	shalt  }
0x72: {  	_ =	shalt  }
0x73: {  	_ =	shalt  }
0x74: {  	_ =	shalt  }
0x75: {  	_ =	shalt  }
0x76: {  	_ =	shalt  }
0x77: {  	_ =	shalt  }
0x78: {  	_ =	shalt  }
0x79: {  	_ =	shalt  }
0x7a: {  	_ =	shalt  }
0x7b: {  	_ =	shalt  }
0x7c: {  	_ =	shalt  }
0x7d: {  	_ =	shalt  }
0x7e: {  	_ =	shalt  }
0x7f: {  	_ =	shalt  }
0x80: {  	_ =	shalt  }
0x81: {  	_ =	shalt  }
0x82: {  	_ =	shalt  }
0x83: {  	_ =	shalt  }
0x84: {  	_ =	shalt  }
0x85: {  	_ =	shalt  }
0x86: {  	_ =	shalt  }
0x87: {  	_ =	shalt  }
.Lfunc_end0:
.L_simem_size_0:
called_computation_lowered:
.L_overlay_start_0:
0x88: {  	s2 =	sld [smem:$0x3FD9]  }
0x89: {  	s3 =	sld [smem:$0x3FFE];
	_ =	sdelay $0x1  }
0x8a: {  	s1 =	srdreg.scid  }
0x8b: {  	s0 =	sand.u32 $0x1, s1  }
0x8c: {  	s14 =	sshll.u32 s0, $0xA;
	s2 =	sadd.s32 s3, s2  }
0x8d: {  	s2 =	sadd.s32 s2, s14  }
0x8e: {  	[smem:$0x3FC5] =	sst s2  }
0x8f: {  	_ = 	snop  }
0x90: {  	s2 =	sld [smem:$0x3FD0];
	_ =	sdelay $0x2  }
0x91: {  	s15 =	simm.s32 $0xA;
	s4 =	simm.s32 $0x10  }
0x92: {  	[smem:s4], [sflag:s15] =	dma.local [hbm:s2], $0x1  }
0x93: {  	_ =	swait.eq [sflag:s15], $0x1  }
0x94: {  	[sflag:s15] =	ssyncset.done $0x0  }
0x95: {  	s16 =	sld [smem:$0x10];
	[sflag:s15] =	ssyncadd.s32 $0xFFFFFFFF  }
0x96: {  	s17 =	sld [smem:$0x11];
	(tm) =	ssettm $0x1  }
0x97: {  	s18 =	sld [smem:$0x3FFB];
	_ =	sdelay $0x3  }
0x98: {  	_ =	strace s18  }
0x99: {  	s4 =	sld [smem:$0x3FFC];
	_ =	sdelay $0x3  }
0x9a: {  	_ =	strace s4  }
0x9b: {  	s4 =	sld [smem:$0x3FFD];
	_ =	sdelay $0x3  }
0x9c: {  	_ =	strace s4  }
0x9d: {  	_ =	strace $0x8FFFFFFF  }
0x9e: {  	s19 =	sld [smem:$0x3FDB];
	_ =	sdelay $0x1  }
0x9f: {  	s5 =	simm.s32 $_scs_section_size  }
0xa0: {  	s6 =	simm.s32 $_size__tile_overlayer_lowered;
	s7 =	simm.s32 $_tile_overlayer_lowered  }
0xa1: {  	s22 =	simm.s32 $0x1BFF;
	s21 =	sshll.u32 s7, $0x1;
	s4 =	sadd.s32 s5, s19  }
0xa2: {  	s8 =	simm.s32 $0x0;
	s20 =	sshll.u32 s6, $0x1;
	s6 =	sadd.s32 s21, s4  }
0xa3: {  	[timem:s8], [sflag:s22] =	dma.local [hbm:s6], s20  }
0xa4: {  	_ =	swait.ge [sflag:s22], s20  }
0xa5: {  	s5 =	ssub.s32 $0x0, s20;
	[sflag:s22] =	ssyncset.done $0x0  }
0xa6: {  	[sflag:s22] =	ssyncadd.s32 s5;
	_ =	sdelay $0x1  }
0xa7: {  	s23 =	simm.s32 $0x1B8B  }
0xa8: {  	_ =	swait.ge [sflag:s23], $0x1  }
0xa9: {  	[sflag:s23] =	ssyncset.done $0x0  }
0xaa: {  	s25 =	simm.s32 $0x1B8E;
	s24 =	sld [smem:$0x3FFE];
	[sflag:s23] =	ssyncadd.s32 $0xFFFFFFFF  }
0xab: {  	s26 =	simm.s32 $execute0_lowered;
	[smem:$0x3FD2] =	sst s25  }
0xac: {  	s6 =	sshll.u32 s26, $0x1;
	_ =	strace $0x80000046;
	[dreg:$0x1] =	wrdreg $0xFFFFFFFF  }
0xad: {  	s28 =	simm.s32 $_size_execute0_lowered;
	s4 =	sadd.s32 s4, s6;
	[dreg:$0x0] =	wrdreg $0x0  }
0xae: {  	s6 =	sshll.u32 s28, $0x1;
	[dreg:$0x2] =	wrdreg s4  }
0xaf: {  	[dreg:$0x3] =	wrdreg s6  }
0xb0: {  	[dreg:$0x4] =	wrdreg $0xC0  }
0xb1: {  	_ =	task [dreg:s8], $0x5FFFF  }
0xb2: {  	[dreg:$0x1] =	wrdreg $0xFFFFFFFF  }
0xb3: {  	[dreg:$0x0] =	wrdreg $0x60  }
0xb4: {  	[dreg:$0x2] =	wrdreg s24  }
0xb5: {  	[dreg:$0x3] =	wrdreg s16  }
0xb6: {  	[dreg:$0x4] =	wrdreg s17  }
0xb7: {  	[dreg:$0x5] =	wrdreg $0x9  }
0xb8: {  	_ =	task.clear_ibuf [dreg:s8], $0x6FFFF;
	_ =	strace $0x90000046  }
0xb9: {  	s29 =	simm.s32 $0x9;
	_ =	strace $0x80000048  }
0xba: {  	_ =	swait.ge [sflag:s29], $0x1  }
0xbb: {  	[sflag:s29] =	ssyncadd.s32 $0xFFFFFFFF  }
0xbc: {  	_ =	strace $0x90000048  }
0xbd: {  	_ =	sfence  }
0xbe: {  	s30 =	sld [smem:$0x0];
	_ =	sdelay $0x2  }
0xbf: {  	s31 =	sshll.u32 s1, $0xD;
	s1 =	sshrl.u32 s1, $0x2  }
0xc0: {  	s3 =	sand.u32 $0x4000, s31;
	s1 =	sadd.s32 s1, s30  }
0xc1: {  	s0 =	sor.u32 s3, s0;
	s1 =	sshll.u32 s1, $0x11  }
0xc2: {  	s0 =	sor.u32 s1, s0  }
0xc3: {  	s0 =	sadd.s32 $0x8F2B, s0  }
0xc4: {  	[sflag:s0] =	ssyncadd.remote.s32 $0x1  }
0xc5: {  	_ =	sfence.sel $0xFFFF  }
0xc6: {  	[dreg:$0x0] =	wrdreg $0xFFFFFFFF;
	(pc) =	sbr.abs _section_cstart, $3  }
0xc7: {  	[dreg:$0x1] =	wrdreg $0xFFFFFFFF  }
0xc8: {  	_ =	task.clear_ibuf [dreg:s8], $0x2FFFF;
	_ =	strace $0x9FFFFFFF  }
0xc9: {  	(tm) =	ssettm $0x7FFFFFFF  }
tec
execute0_lowered:
.L_overlay_start_1:
0x0: {  	(tag) =	ssettag $0x1  }
0x1: {  	s1 =	stileid.u32  }
0x2: {  	p0 =	sgt.u32 s1, $0x1  }
.Ltmp0:
0x3: {  	s3 =	rddreg [dreg:$0x0];
	(pc) =	sbr.rel @p0 .LBB2_3-.Ltmp0, $4  }
0x4: {  	s5 =	rddreg [dreg:$0x1]  }
0x5: {  	s4 =	rddreg [dreg:$0x2];
	s2 =	simm.s32 $0x0  }
0x6: {  	[smem:$0x7FF] =	sst s2  }
0x7: {  	s0 =	rddreg [dreg:$0x3];
	_ =	strace $0x80000047  }
0x8: {  	s6 =	srdreg.scid  }
0x9: {  	v0 =	vlaneseq.u32;
	vm0 =	vmmov $0x1;
	vm1 =	vcmask $0x320;
	s6 =	sand.u32 $0x1, s6  }
0xa: {  	s7 =	sshll.u32 s1, $0x5;
	vm2 =	vcmask $0x720;
	vm3 =	vcmask $0xB20;
	vm4 =	vcmask $0xF20;
	s8 =	sshll.u32 s6, $0x4  }
0xb: {  	s9 =	sadd.s32 $0xC00, s3;
	vm5 =	vcmask $0x1320;
	vm6 =	vcmask $0x1720;
	v5 =	vmul.u32 $0xFFFFFFFF, v0;
	s6 =	ssub.s32 $0x2, s6;
	s7 =	sor.u32 s8, s7  }
0xc: {  	vm7 =	vcmask $0x1B20;
	v6 =	vor.u32 $0x10, v0;
	v7 =	vor.u32 $0x20, v0;
	s31 =	sshrl.u32 s6, $0x1;
	s8 =	simm.s32 $0x80;
	s3 =	sadd.s32 s5, s7  }
0xd: {  	v8 =	vor.u32 $0x30, v0;
	v1 =	vadd.s32 $0xF, v5;
	v2 =	vadd.s32 $0x7FFFFFD0, v5;
	s6 =	ssub.s32 s6, s31;
	s4 =	sadd.s32 s4, s7;
	s5 =	sadd.s32 s9, s7  }
0xe: {  	v3 =	vadd.s32 $0x7FFFFFE0, v5;
	v4 =	vadd.s32 $0x7FFFFFF0, v5;
	v5 =	vadd.s32 $0x80000000, v5;
	s7 =	simm.s32 $0x1;
	s9 =	simm.s32 $0x100;
	s6 =	smax.u32 s6, $0x1  }
.LBB2_2:
0xf: {  	[tilespmem:s2], [sflag:$0x1] =	stream.linear.gather [hbm4b:s5+s2], $0x80, $0x38;
	[tilespmem:$0x180] =	vst v63  }
0x10: {  	_ =	swait.ge [sflag:s7], $0x80  }
0x11: {  	[sflag:s7] =	ssyncset.done $0x0  }
0x12: {  	[sflag:s7] =	ssyncadd.s32 $0xFFFFFF80  }
0x13: {  	v9 =	vld [tilespmem:$0x0]  }
0x14: {  	v10 =	vld [tilespmem:$0x10]  }
0x15: {  	v11 =	vld [tilespmem:$0x20]  }
0x16: {  	v12 =	vld [tilespmem:$0x30];
	_ =	sdelay $0x2  }
0x17: {  	v13 =	vmax.f32 v9, v10  }
0x18: {  	v13 =	vmax.f32 v13, v11  }
0x19: {  	v13 =	vmax.f32 v13, v12  }
0x1a: {  	(xrf0) =	vmax.scan.msk.f32 $0xffff, v13;
	_ =	sdelay $0x5  }
0x1b: {  	v13, _, _ =	vpop (xrf0)  }
0x1c: {  	v13 =	vperm.xlane v13, v1;
	_ =	sdelay $0x1  }
0x1d: {  	(xrf0) =	vmax.scan.msk.f32 $0xffff, v13;
	_ =	sdelay $0x5  }
0x1e: {  	v13, _, _ =	vpop (xrf0)  }
0x1f: {  	v9 =	vsub.f32 v9, v13  }
0x20: {  	v10 =	vsub.f32 v10, v13  }
0x21: {  	v9 =	vmul.f32 $1.442695020e+00, v9  }
0x22: {  	v11 =	vsub.f32 v11, v13;
	v10 =	vmul.f32 $1.442695020e+00, v10  }
0x23: {  	(erf) = vpow2.f32 v9  }
0x24: {  	v9 =	vmul.f32 $1.442695020e+00, v11;
	(erf) = vpow2.f32 v10;
	v10 =	vsub.f32 v12, v13;
	_ =	sdelay $0x1  }
0x25: {  	(erf) = vpow2.f32 v9;
	v9 =	vmul.f32 $1.442695020e+00, v10;
	_ =	sdelay $0x1  }
0x26: {  	(erf) = vpow2.f32 v9;
	_ =	sdelay $0x3  }
0x27: {  	v9 =	vpop (erf)  }
0x28: {  	v10 =	vpop (erf)  }
0x29: {  	v11 =	vadd.f32 v10, v9  }
0x2a: {  	v51 =	vpop (erf)  }
0x2b: {  	v11 =	vadd.f32 v11, v51  }
0x2c: {  	v52 =	vpop (erf)  }
0x2d: {  	v11 =	vadd.f32 v11, v52;
	_ =	sdelay $0x1  }
0x2e: {  	(xrf2) =	vadd.scan.msk.f32 $0xffff, v11;
	_ =	sdelay $0x9  }
0x2f: {  	v11, _, _ =	vpop (xrf2)  }
0x30: {  	v11 =	vperm.xlane v11, v1;
	_ =	sdelay $0x1  }
0x31: {  	(xrf0) =	vmax.scan.msk.f32 $0xffff, v11;
	_ =	sdelay $0x5  }
0x32: {  	v11, _, _ =	vpop (xrf0)  }
0x33: {  	(erf) = vrcp.f32 v11;
	_ =	sdelay $0x8  }
0x34: {  	v11 =	vpop (erf)  }
0x35: {  	v14 =	vmul.f32 v9, v11;
	v15 =	vmul.f32 v10, v11  }
0x36: {  	v12 =	vmul.f32 v51, v11  }
0x37: {  	v11 =	vmul.f32 v52, v11;
	v9 =	vmax.f32 v14, v15  }
0x38: {  	v9 =	vmax.f32 v9, v12  }
0x39: {  	v9 =	vmax.f32 v9, v11  }
0x3a: {  	(xrf0) =	vmax.scan.msk.f32 $0xffff, v9;
	_ =	sdelay $0x5  }
0x3b: {  	v9, _, _ =	vpop (xrf0)  }
0x3c: {  	v9 =	vperm.xlane v9, v1;
	_ =	sdelay $0x1  }
0x3d: {  	(xrf0) =	vmax.scan.msk.f32 $0xffff, v9;
	_ =	sdelay $0x5  }
0x3e: {  	v9, _, _ =	vpop (xrf0)  }
0x3f: {  	vm8 =	veq.f32 v11, v9  }
0x40: {  	vm9 =	veq.f32 v12, v9;
	v10 =	vnsel vm8, $0x7FFFFFC0, v2  }
0x41: {  	vm8 =	veq.f32 v15, v9;
	v10 =	vsel vm9, v3, v10  }
0x42: {  	vm14 =	veq.f32 v14, v9;
	v10 =	vsel vm8, v4, v10  }
0x43: {  	v10 =	vsel vm14, v5, v10  }
0x44: {  	(xrf0) =	vmax.scan.msk.u32 $0xffff, v10;
	_ =	sdelay $0x5  }
0x45: {  	v10, _, _ =	vpop (xrf0)  }
0x46: {  	v10 =	vxor.u32 $0x80000000, v10  }
0x47: {  	v10 =	vperm.xlane v10, v1;
	_ =	sdelay $0x1  }
0x48: {  	v10 =	vxor.u32 $0x80000000, v10  }
0x49: {  	(xrf0) =	vmax.scan.msk.u32 $0xffff, v10;
	_ =	sdelay $0x5  }
0x4a: {  	v10, _, _ =	vpop (xrf0)  }
0x4b: {  	v10 =	vxor.u32 $0x7FFFFFFF, v10  }
0x4c: {  	v10 =	vadd.s32 $0x1, v10  }
0x4d: {  	vm8 =	veq.s32 v10, v0;
	vm15 =	veq.s32 v10, v6  }
0x4e: {  	v53 =	vsel vm8, $0xFF800000, v14;
	v54 =	vsel vm15, $0xFF800000, v15;
	vm8 =	veq.s32 v10, v7  }
0x4f: {  	v55 =	vsel vm8, $0xFF800000, v12;
	vm8 =	veq.s32 v10, v8;
	v56 =	vmax.f32 v53, v54  }
0x50: {  	v16 =	vsel vm8, $0xFF800000, v11;
	v11 =	vmax.f32 v56, v55  }
0x51: {  	v11 =	vmax.f32 v11, v16  }
0x52: {  	(xrf0) =	vmax.scan.msk.f32 $0xffff, v11;
	_ =	sdelay $0x5  }
0x53: {  	v11, _, _ =	vpop (xrf0)  }
0x54: {  	v11 =	vperm.xlane v11, v1;
	_ =	sdelay $0x1  }
0x55: {  	(xrf0) =	vmax.scan.msk.f32 $0xffff, v11;
	_ =	sdelay $0x5  }
0x56: {  	v11, _, _ =	vpop (xrf0)  }
0x57: {  	vm8 =	veq.f32 v16, v11  }
0x58: {  	vm12 =	veq.f32 v55, v11;
	v57 =	vnsel vm8, $0x7FFFFFC0, v2  }
0x59: {  	vm8 =	veq.f32 v54, v11;
	v12 =	vsel vm12, v3, v57  }
0x5a: {  	vm13 =	veq.f32 v53, v11;
	v12 =	vsel vm8, v4, v12  }
0x5b: {  	v12 =	vsel vm13, v5, v12  }
0x5c: {  	(xrf0) =	vmax.scan.msk.u32 $0xffff, v12;
	_ =	sdelay $0x5  }
0x5d: {  	v12, _, _ =	vpop (xrf0)  }
0x5e: {  	v12 =	vxor.u32 $0x80000000, v12  }
0x5f: {  	v12 =	vperm.xlane v12, v1;
	_ =	sdelay $0x1  }
0x60: {  	v12 =	vxor.u32 $0x80000000, v12  }
0x61: {  	(xrf0) =	vmax.scan.msk.u32 $0xffff, v12;
	_ =	sdelay $0x5  }
0x62: {  	v12, _, _ =	vpop (xrf0)  }
0x63: {  	v12 =	vxor.u32 $0x7FFFFFFF, v12  }
0x64: {  	v12 =	vadd.s32 $0x1, v12  }
0x65: {  	vm8 =	veq.s32 v12, v0;
	vm14 =	veq.s32 v12, v6  }
0x66: {  	v17 =	vsel vm8, $0xFF800000, v53;
	v18 =	vsel vm14, $0xFF800000, v54;
	vm8 =	veq.s32 v12, v7  }
0x67: {  	v15 =	vsel vm8, $0xFF800000, v55;
	vm8 =	veq.s32 v12, v8;
	v13 =	vmax.f32 v17, v18  }
0x68: {  	v16 =	vsel vm8, $0xFF800000, v16;
	v13 =	vmax.f32 v13, v15  }
0x69: {  	v13 =	vmax.f32 v13, v16  }
0x6a: {  	(xrf0) =	vmax.scan.msk.f32 $0xffff, v13;
	_ =	sdelay $0x5  }
0x6b: {  	v13, _, _ =	vpop (xrf0)  }
0x6c: {  	v13 =	vperm.xlane v13, v1;
	_ =	sdelay $0x1  }
0x6d: {  	(xrf0) =	vmax.scan.msk.f32 $0xffff, v13;
	_ =	sdelay $0x5  }
0x6e: {  	v13, _, _ =	vpop (xrf0)  }
0x6f: {  	vm8 =	veq.f32 v16, v13  }
0x70: {  	vm15 =	veq.f32 v15, v13;
	v58 =	vnsel vm8, $0x7FFFFFC0, v2  }
0x71: {  	vm8 =	veq.f32 v18, v13;
	v14 =	vsel vm15, v3, v58  }
0x72: {  	vm12 =	veq.f32 v17, v13;
	v14 =	vsel vm8, v4, v14  }
0x73: {  	v14 =	vsel vm12, v5, v14  }
0x74: {  	(xrf0) =	vmax.scan.msk.u32 $0xffff, v14;
	_ =	sdelay $0x5  }
0x75: {  	v14, _, _ =	vpop (xrf0)  }
0x76: {  	v14 =	vxor.u32 $0x80000000, v14  }
0x77: {  	v14 =	vperm.xlane v14, v1;
	_ =	sdelay $0x1  }
0x78: {  	v14 =	vxor.u32 $0x80000000, v14  }
0x79: {  	(xrf0) =	vmax.scan.msk.u32 $0xffff, v14;
	_ =	sdelay $0x5  }
0x7a: {  	v14, _, _ =	vpop (xrf0)  }
0x7b: {  	v14 =	vxor.u32 $0x7FFFFFFF, v14  }
0x7c: {  	v14 =	vadd.s32 $0x1, v14  }
0x7d: {  	vm8 =	veq.s32 v14, v0;
	vm13 =	veq.s32 v14, v6  }
0x7e: {  	v17 =	vsel vm8, $0xFF800000, v17;
	v18 =	vsel vm13, $0xFF800000, v18;
	vm8 =	veq.s32 v14, v7  }
0x7f: {  	v19 =	vsel vm8, $0xFF800000, v15;
	vm8 =	veq.s32 v14, v8;
	v59 =	vmax.f32 v17, v18  }
0x80: {  	v20 =	vsel vm8, $0xFF800000, v16;
	v15 =	vmax.f32 v59, v19  }
0x81: {  	v15 =	vmax.f32 v15, v20  }
0x82: {  	(xrf0) =	vmax.scan.msk.f32 $0xffff, v15;
	_ =	sdelay $0x5  }
0x83: {  	v15, _, _ =	vpop (xrf0)  }
0x84: {  	v15 =	vperm.xlane v15, v1;
	_ =	sdelay $0x1  }
0x85: {  	(xrf0) =	vmax.scan.msk.f32 $0xffff, v15;
	_ =	sdelay $0x5  }
0x86: {  	v15, _, _ =	vpop (xrf0)  }
0x87: {  	vm8 =	veq.f32 v20, v15  }
0x88: {  	vm14 =	veq.f32 v19, v15;
	v60 =	vnsel vm8, $0x7FFFFFC0, v2  }
0x89: {  	vm8 =	veq.f32 v18, v15;
	v16 =	vsel vm14, v3, v60  }
0x8a: {  	vm15 =	veq.f32 v17, v15;
	v16 =	vsel vm8, v4, v16  }
0x8b: {  	v16 =	vsel vm15, v5, v16  }
0x8c: {  	(xrf0) =	vmax.scan.msk.u32 $0xffff, v16;
	_ =	sdelay $0x5  }
0x8d: {  	v16, _, _ =	vpop (xrf0)  }
0x8e: {  	v16 =	vxor.u32 $0x80000000, v16  }
0x8f: {  	v16 =	vperm.xlane v16, v1;
	_ =	sdelay $0x1  }
0x90: {  	v16 =	vxor.u32 $0x80000000, v16  }
0x91: {  	(xrf0) =	vmax.scan.msk.u32 $0xffff, v16;
	_ =	sdelay $0x5  }
0x92: {  	v16, _, _ =	vpop (xrf0)  }
0x93: {  	v16 =	vxor.u32 $0x7FFFFFFF, v16  }
0x94: {  	v16 =	vadd.s32 $0x1, v16  }
0x95: {  	vm8 =	veq.s32 v16, v0;
	vm12 =	veq.s32 v16, v6  }
0x96: {  	v17 =	vsel vm8, $0xFF800000, v17;
	v18 =	vsel vm12, $0xFF800000, v18;
	vm8 =	veq.s32 v16, v7  }
0x97: {  	v19 =	vsel vm8, $0xFF800000, v19;
	vm8 =	veq.s32 v16, v8;
	v21 =	vmax.f32 v17, v18  }
0x98: {  	v20 =	vsel vm8, $0xFF800000, v20;
	v21 =	vmax.f32 v21, v19  }
0x99: {  	v21 =	vmax.f32 v21, v20  }
0x9a: {  	(xrf0) =	vmax.scan.msk.f32 $0xffff, v21;
	_ =	sdelay $0x5  }
0x9b: {  	v21, _, _ =	vpop (xrf0)  }
0x9c: {  	v21 =	vperm.xlane v21, v1;
	_ =	sdelay $0x1  }
0x9d: {  	(xrf0) =	vmax.scan.msk.f32 $0xffff, v21;
	_ =	sdelay $0x5  }
0x9e: {  	v21, _, _ =	vpop (xrf0)  }
0x9f: {  	vm8 =	veq.f32 v20, v21  }
0xa0: {  	vm13 =	veq.f32 v19, v21;
	v22 =	vnsel vm8, $0x7FFFFFC0, v2  }
0xa1: {  	vm8 =	veq.f32 v18, v21;
	v22 =	vsel vm13, v3, v22  }
0xa2: {  	vm14 =	veq.f32 v17, v21;
	v22 =	vsel vm8, v4, v22  }
0xa3: {  	v22 =	vsel vm14, v5, v22  }
0xa4: {  	(xrf0) =	vmax.scan.msk.u32 $0xffff, v22;
	_ =	sdelay $0x5  }
0xa5: {  	v22, _, _ =	vpop (xrf0)  }
0xa6: {  	v22 =	vxor.u32 $0x80000000, v22  }
0xa7: {  	v22 =	vperm.xlane v22, v1;
	_ =	sdelay $0x1  }
0xa8: {  	v22 =	vxor.u32 $0x80000000, v22  }
0xa9: {  	(xrf0) =	vmax.scan.msk.u32 $0xffff, v22;
	_ =	sdelay $0x5  }
0xaa: {  	v22, _, _ =	vpop (xrf0)  }
0xab: {  	v22 =	vxor.u32 $0x7FFFFFFF, v22  }
0xac: {  	v22 =	vadd.s32 $0x1, v22  }
0xad: {  	vm8 =	veq.s32 v22, v0;
	vm15 =	veq.s32 v22, v6  }
0xae: {  	v17 =	vsel vm8, $0xFF800000, v17;
	v18 =	vsel vm15, $0xFF800000, v18;
	vm8 =	veq.s32 v22, v7  }
0xaf: {  	v19 =	vsel vm8, $0xFF800000, v19;
	vm8 =	veq.s32 v22, v8;
	v23 =	vmax.f32 v17, v18  }
0xb0: {  	v20 =	vsel vm8, $0xFF800000, v20;
	v23 =	vmax.f32 v23, v19  }
0xb1: {  	v23 =	vmax.f32 v23, v20  }
0xb2: {  	(xrf0) =	vmax.scan.msk.f32 $0xffff, v23;
	_ =	sdelay $0x5  }
0xb3: {  	v23, _, _ =	vpop (xrf0)  }
0xb4: {  	v23 =	vperm.xlane v23, v1;
	_ =	sdelay $0x1  }
0xb5: {  	(xrf0) =	vmax.scan.msk.f32 $0xffff, v23;
	_ =	sdelay $0x5  }
0xb6: {  	v23, _, _ =	vpop (xrf0)  }
0xb7: {  	vm8 =	veq.f32 v20, v23  }
0xb8: {  	vm12 =	veq.f32 v19, v23;
	v24 =	vnsel vm8, $0x7FFFFFC0, v2  }
0xb9: {  	vm8 =	veq.f32 v18, v23;
	v24 =	vsel vm12, v3, v24  }
0xba: {  	vm13 =	veq.f32 v17, v23;
	v24 =	vsel vm8, v4, v24  }
0xbb: {  	v24 =	vsel vm13, v5, v24  }
0xbc: {  	(xrf0) =	vmax.scan.msk.u32 $0xffff, v24;
	_ =	sdelay $0x5  }
0xbd: {  	v24, _, _ =	vpop (xrf0)  }
0xbe: {  	v24 =	vxor.u32 $0x80000000, v24  }
0xbf: {  	v24 =	vperm.xlane v24, v1;
	_ =	sdelay $0x1  }
0xc0: {  	v24 =	vxor.u32 $0x80000000, v24  }
0xc1: {  	(xrf0) =	vmax.scan.msk.u32 $0xffff, v24;
	_ =	sdelay $0x5  }
0xc2: {  	v24, _, _ =	vpop (xrf0)  }
0xc3: {  	v24 =	vxor.u32 $0x7FFFFFFF, v24  }
0xc4: {  	v24 =	vadd.s32 $0x1, v24  }
0xc5: {  	vm8 =	veq.s32 v24, v0;
	vm14 =	veq.s32 v24, v6  }
0xc6: {  	v17 =	vsel vm8, $0xFF800000, v17;
	v18 =	vsel vm14, $0xFF800000, v18;
	vm8 =	veq.s32 v24, v7  }
0xc7: {  	v19 =	vsel vm8, $0xFF800000, v19;
	vm8 =	veq.s32 v24, v8;
	v25 =	vmax.f32 v17, v18  }
0xc8: {  	v20 =	vsel vm8, $0xFF800000, v20;
	v25 =	vmax.f32 v25, v19  }
0xc9: {  	v25 =	vmax.f32 v25, v20  }
0xca: {  	(xrf0) =	vmax.scan.msk.f32 $0xffff, v25;
	_ =	sdelay $0x5  }
0xcb: {  	v25, _, _ =	vpop (xrf0)  }
0xcc: {  	v25 =	vperm.xlane v25, v1;
	_ =	sdelay $0x1  }
0xcd: {  	(xrf0) =	vmax.scan.msk.f32 $0xffff, v25;
	_ =	sdelay $0x5  }
0xce: {  	v25, _, _ =	vpop (xrf0)  }
0xcf: {  	vm8 =	veq.f32 v20, v25  }
0xd0: {  	vm15 =	veq.f32 v19, v25;
	v26 =	vnsel vm8, $0x7FFFFFC0, v2  }
0xd1: {  	vm8 =	veq.f32 v18, v25;
	v26 =	vsel vm15, v3, v26  }
0xd2: {  	vm12 =	veq.f32 v17, v25;
	v26 =	vsel vm8, v4, v26  }
0xd3: {  	v26 =	vsel vm12, v5, v26  }
0xd4: {  	(xrf0) =	vmax.scan.msk.u32 $0xffff, v26;
	_ =	sdelay $0x5  }
0xd5: {  	v26, _, _ =	vpop (xrf0)  }
0xd6: {  	v26 =	vxor.u32 $0x80000000, v26  }
0xd7: {  	v26 =	vperm.xlane v26, v1;
	_ =	sdelay $0x1  }
0xd8: {  	v26 =	vxor.u32 $0x80000000, v26  }
0xd9: {  	(xrf0) =	vmax.scan.msk.u32 $0xffff, v26;
	_ =	sdelay $0x5  }
0xda: {  	v26, _, _ =	vpop (xrf0)  }
0xdb: {  	v26 =	vxor.u32 $0x7FFFFFFF, v26  }
0xdc: {  	v26 =	vadd.s32 $0x1, v26  }
0xdd: {  	vm8 =	veq.s32 v26, v0;
	vm13 =	veq.s32 v26, v6  }
0xde: {  	v17 =	vsel vm8, $0xFF800000, v17;
	v18 =	vsel vm13, $0xFF800000, v18;
	vm8 =	veq.s32 v26, v7  }
0xdf: {  	v19 =	vsel vm8, $0xFF800000, v19;
	vm8 =	veq.s32 v26, v8;
	v27 =	vmax.f32 v17, v18  }
0xe0: {  	v20 =	vsel vm8, $0xFF800000, v20;
	v27 =	vmax.f32 v27, v19  }
0xe1: {  	v27 =	vmax.f32 v27, v20  }
0xe2: {  	(xrf0) =	vmax.scan.msk.f32 $0xffff, v27;
	_ =	sdelay $0x5  }
0xe3: {  	v27, _, _ =	vpop (xrf0)  }
0xe4: {  	v27 =	vperm.xlane v27, v1;
	_ =	sdelay $0x1  }
0xe5: {  	(xrf0) =	vmax.scan.msk.f32 $0xffff, v27;
	_ =	sdelay $0x5  }
0xe6: {  	v27, _, _ =	vpop (xrf0)  }
0xe7: {  	vm8 =	veq.f32 v20, v27  }
0xe8: {  	vm14 =	veq.f32 v19, v27;
	v61 =	vnsel vm8, $0x7FFFFFC0, v2  }
0xe9: {  	vm8 =	veq.f32 v18, v27;
	v62 =	vsel vm14, v3, v61  }
0xea: {  	vm15 =	veq.f32 v17, v27;
	v63 =	vsel vm8, v4, v62  }
0xeb: {  	v17 =	vsel vm15, v5, v63  }
0xec: {  	(xrf0) =	vmax.scan.msk.u32 $0xffff, v17;
	_ =	sdelay $0x5  }
0xed: {  	v17, _, _ =	vpop (xrf0)  }
0xee: {  	v17 =	vxor.u32 $0x80000000, v17  }
0xef: {  	v17 =	vperm.xlane v17, v1;
	_ =	sdelay $0x1  }
0xf0: {  	v17 =	vxor.u32 $0x80000000, v17  }
0xf1: {  	(xrf0) =	vmax.scan.msk.u32 $0xffff, v17  }
0xf2: {  	v9 =	vnsel vm0, $0x0, v9  }
0xf3: {  	v10 =	vnsel vm0, $0x0, v10;
	v9 =	vsel vm1, v9, v11  }
0xf4: {  	v10 =	vsel vm1, v10, v12;
	v9 =	vsel vm2, v9, v13  }
0xf5: {  	v10 =	vsel vm2, v10, v14;
	v9 =	vsel vm3, v9, v15  }
0xf6: {  	v10 =	vsel vm3, v10, v16;
	v9 =	vsel vm4, v9, v21  }
0xf7: {  	v10 =	vsel vm4, v10, v22;
	v9 =	vsel vm5, v9, v23;
	v11, _, _ =	vpop (xrf0)  }
0xf8: {  	v10 =	vsel vm5, v10, v24;
	v9 =	vsel vm6, v9, v25;
	v11 =	vxor.u32 $0x7FFFFFFF, v11  }
0xf9: {  	v10 =	vsel vm6, v10, v26;
	v9 =	vsel vm7, v9, v27;
	v11 =	vadd.s32 $0x1, v11  }
0xfa: {  	[tilespmem:$0x80] =	vst v9;
	v10 =	vsel vm7, v10, v11  }
0xfb: {  	[tilespmem:$0x100] =	vst v10  }
0xfc: {  	[hbm4b:s3+s2] =	stream.linear.scatter [tilespmem:s8], [sflag:$0x1], $0x80, $0x38;
	[tilespmem:$0x180] =	vst v63  }
0xfd: {  	_ =	swait.ge [sflag:s7], $0x80  }
0xfe: {  	p0 =	sne.s32 s6, $0x1;
	[sflag:s7] =	ssyncset.done $0x0  }
.Ltmp1:
0xff: {  	[sflag:s7] =	ssyncadd.s32 $0xFFFFFF80;
	(pc) =	sbr.rel @p0 .LBB2_2-.Ltmp1, $4  }
0x100: {  	[hbm4b:s4+s2] =	stream.linear.scatter [tilespmem:s9], [sflag:$0x1], $0x80, $0x38;
	[tilespmem:$0x180] =	vst v63  }
0x101: {  	_ =	swait.ge [sflag:s7], $0x80  }
0x102: {  	[sflag:s7] =	ssyncset.done $0x0  }
0x103: {  	s6 =	sadd.s32 $0xFFFFFFFF, s6;
	[sflag:s7] =	ssyncadd.s32 $0xFFFFFF80  }
.LBB2_3:
0x104: {  	_ =	sfence.sel $0x180000  }
0x105: {  	[bflag:$0x0] =	sbarrier.arrive $0xFFFF  }
0x106: {  	p0 =	sne.s32 s1, $0x0;
	_ =	strace $0x90000047  }
0x107: {  	s0 =	sadd.s32 @!p0 $0x100000, s0;
	[bflag:$0x2] =	sbarrier.arrive $0xFFFF  }
0x108: {  	[sflag:s0] =	ssyncadd.tile.s32 @!p0 $0x1;
	_ =	shalt  }
.Lfunc_end2:
_tile_overlayer_lowered:
.L_overlay_start_2:
0x109: {  	(tag) =	ssettag $0x2  }
0x10a: {  	s0 =	rddreg [dreg:$0x0];
	s2 =	stileid.u32  }
0x10b: {  	s1 =	rddreg [dreg:$0x1];
	p0 =	sne.s32 s2, $0x0  }
0x10c: {  	s3 =	rddreg [dreg:$0x2];
	[bflag:$0x3] =	sbarrier.arrive $0xFFFF;
	s2 =	simm.s32 @!p0 $0x1C01  }
0x10d: {  	[timem:s3], [sflag:s2] =	dma.local @!p0 [hbm:s0], s1  }
0x10e: {  	s0 =	simm.s32 @!p0 $0x1  }
0x10f: {  	_ =	swait.ge @!p0 [sflag:s0], s1  }
0x110: {  	s1 =	ssub.s32 @!p0 $0x0, s1;
	[sflag:s0] =	ssyncset.done @!p0 $0x0  }
0x111: {  	[sflag:s0] =	ssyncadd.s32 @!p0 s1  }
0x112: {  	[bflag:$0x3] =	sbarrier.arrive $0xFFFF  }
0x113: {  	_ =	shalt  }

</sc_bundles>
